<compile_context>
chip_gen: v7x
topology: tpu7x:2x2x1
jax: 0.10.2.dev20260603
libtpu: 0.0.44.dev20260713+nightly
codegen_flags: <defaults>
</compile_context>

<pallas_src>
import functools

import jax
import jax.numpy as jnp
from jax import lax
from jax.experimental import pallas as pl
from jax.experimental.pallas import tpu as pltpu
from jax.experimental.pallas import tpu_sc as plsc
from jax.experimental import layout as jlayout

NC = 2
NS = 16
NW = NC * NS
L = 16

B = 16384
D = 32
BPW = B // NW
CHUNK = 128
NCHUNK = BPW // CHUNK
GROUPS = BPW // L


def _mf_body(uid_hbm, iid_hbm, uemb_hbm, ubf_hbm, iemb_hbm, ibf_hbm,
             out_hbm, uid_v, iid_v, urows, irows, ub, ib, mt, out_v, sem):
    wid = lax.axis_index("s") * NC + lax.axis_index("c")
    base = wid * BPW

    for c in range(NCHUNK):
        pltpu.sync_copy(uid_hbm.at[pl.ds(base + c * CHUNK, CHUNK)], uid_v.at[c])
        pltpu.sync_copy(iid_hbm.at[pl.ds(base + c * CHUNK, CHUNK)], iid_v.at[c])

    copies = []
    for c in range(NCHUNK):
        sl = pl.ds(c * CHUNK, CHUNK)
        copies.append(pltpu.async_copy(uemb_hbm.at[uid_v.at[c]], urows.at[sl], sem))
        copies.append(pltpu.async_copy(iemb_hbm.at[iid_v.at[c]], irows.at[sl], sem))
        copies.append(pltpu.async_copy(ubf_hbm.at[uid_v.at[c]], ub.at[sl], sem))
        copies.append(pltpu.async_copy(ibf_hbm.at[iid_v.at[c]], ib.at[sl], sem))
    for cp in copies:
        cp.wait()

    lanes = lax.iota(jnp.int32, L)

    def group(g, carry):
        r0 = pl.multiple_of(g * L, L)
        for r in range(L):
            row = r0 + r
            p0 = urows[row, pl.ds(0, L)]
            p1 = urows[row, pl.ds(L, L)]
            q0 = irows[row, pl.ds(0, L)]
            q1 = irows[row, pl.ds(L, L)]
            a = p0 * q0 + p1 * q1
            plsc.store_scatter(mt, [lanes, jnp.full((L,), r, jnp.int32)], a)
        acc = ub[pl.ds(r0, L)] + ib[pl.ds(r0, L)]
        for j in range(L):
            acc = acc + mt[j, pl.ds(0, L)]
        out_v[pl.ds(r0, L)] = acc
        return carry

    lax.fori_loop(0, GROUPS, group, 0)
    pltpu.sync_copy(out_v, out_hbm.at[pl.ds(base, BPW)])


_mf_kernel = functools.partial(
    pl.kernel,
    out_type=jax.ShapeDtypeStruct((B,), jnp.float32),
    mesh=plsc.VectorSubcoreMesh(
        core_axis_name="c", subcore_axis_name="s",
        num_cores=NC, num_subcores=NS),
    scratch_types=[
        pltpu.VMEM((NCHUNK, CHUNK), jnp.int32),
        pltpu.VMEM((NCHUNK, CHUNK), jnp.int32),
        pltpu.VMEM((BPW, D), jnp.float32),
        pltpu.VMEM((BPW, D), jnp.float32),
        pltpu.VMEM((BPW,), jnp.float32),
        pltpu.VMEM((BPW,), jnp.float32),
        pltpu.VMEM((L, L), jnp.float32),
        pltpu.VMEM((BPW,), jnp.float32),
        pltpu.SemaphoreType.DMA,
    ],
    compiler_params=pltpu.CompilerParams(needs_layout_passes=False,
                                         use_tc_tiling_on_sc=False),
)(_mf_body)

def _row_major(table, zbit):
    bits = lax.bitcast_convert_type(table, jnp.int32) ^ zbit
    bits = jlayout.with_layout_constraint(
        bits, jlayout.Layout((0, 1), ((8, 128),)))
    return lax.bitcast_convert_type(bits, jnp.float32)


@jax.jit
def kernel(user_id, item_id, user_embedding, user_bias, item_embedding,
           item_bias):
    uid = user_id.astype(jnp.int32)
    iid = item_id.astype(jnp.int32)
    z = uid[0] & 0
    return _mf_kernel(uid, iid, _row_major(user_embedding, z),
                      user_bias.reshape(-1),
                      _row_major(item_embedding, z),
                      item_bias.reshape(-1))

# --- scband reference (transcript-rebuilt; emitter-appended) ---
"""Pipeline reference for scband-matrix-factorization-45827301048391 (READ-ONLY COPY).

The authoritative reference and input builder live on the scoring server;
editing this copy changes nothing except your own understanding.
"""

import jax, jax.numpy as jnp
import numpy as np

NUM_USERS = 1000000
NUM_ITEMS = 1000000
EMBED_DIM = 32
BATCH = 16384


def setup_inputs(seed: int = 0) -> dict:
    key = jax.random.key(seed)
    k1, k2, k3, k4, k5, k6 = jax.random.split(key, 6)
    user_id = jax.random.randint(k1, (BATCH,), 0, NUM_USERS, dtype=jnp.int64) if jax.config.jax_enable_x64 else jax.random.randint(k1, (BATCH,), 0, NUM_USERS, dtype=jnp.int32)
    item_id = jax.random.randint(k2, (BATCH,), 0, NUM_ITEMS, dtype=jnp.int32)
    # Xavier-normal init: std = sqrt(2/(fan_in+fan_out))
    std_emb = float(np.sqrt(2.0 / ((NUM_USERS + 1) + EMBED_DIM)))
    std_bias_u = float(np.sqrt(2.0 / ((NUM_USERS + 1) + 1)))
    std_bias_i = float(np.sqrt(2.0 / ((NUM_ITEMS + 1) + 1)))
    user_embedding = jax.random.normal(k3, (NUM_USERS + 1, EMBED_DIM), dtype=jnp.float32) * std_emb
    user_bias = jax.random.normal(k4, (NUM_USERS + 1, 1), dtype=jnp.float32) * std_bias_u
    item_embedding = jax.random.normal(k5, (NUM_ITEMS + 1, EMBED_DIM), dtype=jnp.float32) * std_emb
    item_bias = jax.random.normal(k6, (NUM_ITEMS + 1, 1), dtype=jnp.float32) * std_bias_i
    return {
        "user_id": user_id,
        "item_id": item_id,
        "user_embedding": user_embedding,
        "user_bias": user_bias,
        "item_embedding": item_embedding,
        "item_bias": item_bias,
    }


def reference(user_id, item_id, user_embedding, user_bias, item_embedding, item_bias):
    P = jnp.take(user_embedding, user_id, axis=0)          # [B, D]
    P_bias = jnp.take(user_bias, user_id, axis=0).reshape(-1)  # [B]
    Q = jnp.take(item_embedding, item_id, axis=0)          # [B, D]
    Q_bias = jnp.take(item_bias, item_id, axis=0).reshape(-1)  # [B]
    return (P * Q).sum(-1) + P_bias + Q_bias

if __name__ == "__main__":
    import jax
    _d = setup_inputs()
    print(jax.jit(kernel)(*tuple(_d.values())))

</pallas_src>

<mosaic_0001>
#map = affine_map<(d0, d1) -> (0)>
#map1 = affine_map<(d0, d1) -> (0, 0)>
module attributes {stable_mosaic.version = 14 : i64} {
  func.func @_mf_body(%arg0: i32, %arg1: i32, %arg2: memref<16384xi32, #tpu.memory_space<hbm>>, %arg3: memref<16384xi32, #tpu.memory_space<hbm>>, %arg4: memref<1000001x32xf32, #tpu.memory_space<hbm>>, %arg5: memref<1000001xf32, #tpu.memory_space<hbm>>, %arg6: memref<1000001x32xf32, #tpu.memory_space<hbm>>, %arg7: memref<1000001xf32, #tpu.memory_space<hbm>>, %arg8: memref<16384xf32, #tpu.memory_space<hbm>>, %arg9: memref<4x128xi32, #tpu.memory_space<vmem>>, %arg10: memref<4x128xi32, #tpu.memory_space<vmem>>, %arg11: memref<512x32xf32, #tpu.memory_space<vmem>>, %arg12: memref<512x32xf32, #tpu.memory_space<vmem>>, %arg13: memref<512xf32, #tpu.memory_space<vmem>>, %arg14: memref<512xf32, #tpu.memory_space<vmem>>, %arg15: memref<16x16xf32, #tpu.memory_space<vmem>>, %arg16: memref<512xf32, #tpu.memory_space<vmem>>, %arg17: memref<!tpu.dma_semaphore, #tpu.memory_space<semaphore_mem>>) attributes {dimension_semantics = [#tpu.dimension_semantics<core_parallel>, #tpu.dimension_semantics<subcore_parallel>], iteration_bounds = array<i64: 2, 16>, scalar_prefetch = 0 : i64, scratch_operands = 9 : i64, tpu.core_type = #tpu.core_type<sc_vector_subcore>, window_params = [{transform_indices = #map}, {transform_indices = #map}, {transform_indices = #map1}, {transform_indices = #map}, {transform_indices = #map1}, {transform_indices = #map}, {transform_indices = #map}]} {
    %mul3A = arith.constant 2 : i32
    %mul3A_0 = arith.muli %arg1, %mul3A : i32
    %add3A = arith.addi %mul3A_0, %arg0 : i32
    %mul3A_1 = arith.constant 512 : i32
    %mul3A_2 = arith.muli %add3A, %mul3A_1 : i32
    %add3A_3 = arith.constant 0 : i32
    %add3A_4 = arith.addi %mul3A_2, %add3A_3 : i32
    %run_scoped3A = arith.constant 0 : i32
    "tpu.region"() ({
      %run_scoped3A_317 = tpu.sem_alloc : memref<!tpu.dma_semaphore, #tpu.memory_space<semaphore_mem>>
      %dma_start3A_318 = arith.constant 0 : i32
      %dma_start3A_319 = tpu.memref_slice %arg9[%run_scoped3A, %dma_start3A_318] : memref<4x128xi32, #tpu.memory_space<vmem>> -> memref<1x128xi32, #tpu.memory_space<vmem>>
      %dma_start3A_320 = tpu.memref_squeeze %dma_start3A_319 : memref<1x128xi32, #tpu.memory_space<vmem>> -> memref<128xi32, #tpu.memory_space<vmem>>
      %dma_start3A_321 = tpu.memref_slice %arg2[%add3A_4] : memref<16384xi32, #tpu.memory_space<hbm>> -> memref<128xi32, #tpu.memory_space<hbm>>
      %dma_start3A_322 = arith.constant 0 : i32
      %dma_start3A_323 = tpu.memref_slice %arg9[%run_scoped3A, %dma_start3A_322] : memref<4x128xi32, #tpu.memory_space<vmem>> -> memref<1x128xi32, #tpu.memory_space<vmem>>
      %dma_start3A_324 = tpu.memref_squeeze %dma_start3A_323 : memref<1x128xi32, #tpu.memory_space<vmem>> -> memref<128xi32, #tpu.memory_space<vmem>>
      %dma_start3A_325 = tpu.memref_slice %arg2[%add3A_4] : memref<16384xi32, #tpu.memory_space<hbm>> -> memref<128xi32, #tpu.memory_space<hbm>>
      tpu.enqueue_dma source(%dma_start3A_325 : memref<128xi32, #tpu.memory_space<hbm>>) target(%dma_start3A_324 : memref<128xi32, #tpu.memory_space<vmem>>) target_semaphore(%run_scoped3A_317 : memref<!tpu.dma_semaphore, #tpu.memory_space<semaphore_mem>>)
      %dma_wait3A_326 = arith.constant 0 : i32
      %dma_wait3A_327 = tpu.memref_slice %arg9[%run_scoped3A, %dma_wait3A_326] : memref<4x128xi32, #tpu.memory_space<vmem>> -> memref<1x128xi32, #tpu.memory_space<vmem>>
      %dma_wait3A_328 = tpu.memref_squeeze %dma_wait3A_327 : memref<1x128xi32, #tpu.memory_space<vmem>> -> memref<128xi32, #tpu.memory_space<vmem>>
      %dma_wait3A_329 = tpu.memref_slice %arg2[%add3A_4] : memref<16384xi32, #tpu.memory_space<hbm>> -> memref<128xi32, #tpu.memory_space<hbm>>
      %dma_wait3A_330 = arith.constant 0 : i32
      %dma_wait3A_331 = tpu.memref_slice %arg9[%run_scoped3A, %dma_wait3A_330] : memref<4x128xi32, #tpu.memory_space<vmem>> -> memref<1x128xi32, #tpu.memory_space<vmem>>
      %dma_wait3A_332 = tpu.memref_squeeze %dma_wait3A_331 : memref<1x128xi32, #tpu.memory_space<vmem>> -> memref<128xi32, #tpu.memory_space<vmem>>
      %dma_wait3A_333 = tpu.memref_slice %arg2[%add3A_4] : memref<16384xi32, #tpu.memory_space<hbm>> -> memref<128xi32, #tpu.memory_space<hbm>>
      tpu.wait_dma2 semaphore(%run_scoped3A_317 : memref<!tpu.dma_semaphore, #tpu.memory_space<semaphore_mem>>) src(%dma_wait3A_333 : memref<128xi32, #tpu.memory_space<hbm>>) dst(%dma_wait3A_332 : memref<128xi32, #tpu.memory_space<vmem>>)
      tpu.yield
    }) : () -> ()
    %add3A_5 = arith.constant 0 : i32
    %add3A_6 = arith.addi %mul3A_2, %add3A_5 : i32
    %run_scoped3A_7 = arith.constant 0 : i32
    "tpu.region"() ({
      %run_scoped3A_317 = tpu.sem_alloc : memref<!tpu.dma_semaphore, #tpu.memory_space<semaphore_mem>>
      %dma_start3A_318 = arith.constant 0 : i32
      %dma_start3A_319 = tpu.memref_slice %arg10[%run_scoped3A_7, %dma_start3A_318] : memref<4x128xi32, #tpu.memory_space<vmem>> -> memref<1x128xi32, #tpu.memory_space<vmem>>
      %dma_start3A_320 = tpu.memref_squeeze %dma_start3A_319 : memref<1x128xi32, #tpu.memory_space<vmem>> -> memref<128xi32, #tpu.memory_space<vmem>>
      %dma_start3A_321 = tpu.memref_slice %arg3[%add3A_6] : memref<16384xi32, #tpu.memory_space<hbm>> -> memref<128xi32, #tpu.memory_space<hbm>>
      %dma_start3A_322 = arith.constant 0 : i32
      %dma_start3A_323 = tpu.memref_slice %arg10[%run_scoped3A_7, %dma_start3A_322] : memref<4x128xi32, #tpu.memory_space<vmem>> -> memref<1x128xi32, #tpu.memory_space<vmem>>
      %dma_start3A_324 = tpu.memref_squeeze %dma_start3A_323 : memref<1x128xi32, #tpu.memory_space<vmem>> -> memref<128xi32, #tpu.memory_space<vmem>>
      %dma_start3A_325 = tpu.memref_slice %arg3[%add3A_6] : memref<16384xi32, #tpu.memory_space<hbm>> -> memref<128xi32, #tpu.memory_space<hbm>>
      tpu.enqueue_dma source(%dma_start3A_325 : memref<128xi32, #tpu.memory_space<hbm>>) target(%dma_start3A_324 : memref<128xi32, #tpu.memory_space<vmem>>) target_semaphore(%run_scoped3A_317 : memref<!tpu.dma_semaphore, #tpu.memory_space<semaphore_mem>>)
      %dma_wait3A_326 = arith.constant 0 : i32
      %dma_wait3A_327 = tpu.memref_slice %arg10[%run_scoped3A_7, %dma_wait3A_326] : memref<4x128xi32, #tpu.memory_space<vmem>> -> memref<1x128xi32, #tpu.memory_space<vmem>>
      %dma_wait3A_328 = tpu.memref_squeeze %dma_wait3A_327 : memref<1x128xi32, #tpu.memory_space<vmem>> -> memref<128xi32, #tpu.memory_space<vmem>>
      %dma_wait3A_329 = tpu.memref_slice %arg3[%add3A_6] : memref<16384xi32, #tpu.memory_space<hbm>> -> memref<128xi32, #tpu.memory_space<hbm>>
      %dma_wait3A_330 = arith.constant 0 : i32
      %dma_wait3A_331 = tpu.memref_slice %arg10[%run_scoped3A_7, %dma_wait3A_330] : memref<4x128xi32, #tpu.memory_space<vmem>> -> memref<1x128xi32, #tpu.memory_space<vmem>>
      %dma_wait3A_332 = tpu.memref_squeeze %dma_wait3A_331 : memref<1x128xi32, #tpu.memory_space<vmem>> -> memref<128xi32, #tpu.memory_space<vmem>>
      %dma_wait3A_333 = tpu.memref_slice %arg3[%add3A_6] : memref<16384xi32, #tpu.memory_space<hbm>> -> memref<128xi32, #tpu.memory_space<hbm>>
      tpu.wait_dma2 semaphore(%run_scoped3A_317 : memref<!tpu.dma_semaphore, #tpu.memory_space<semaphore_mem>>) src(%dma_wait3A_333 : memref<128xi32, #tpu.memory_space<hbm>>) dst(%dma_wait3A_332 : memref<128xi32, #tpu.memory_space<vmem>>)
      tpu.yield
    }) : () -> ()
    %add3A_8 = arith.constant 128 : i32
    %add3A_9 = arith.addi %mul3A_2, %add3A_8 : i32
    %run_scoped3A_10 = arith.constant 1 : i32
    "tpu.region"() ({
      %run_scoped3A_317 = tpu.sem_alloc : memref<!tpu.dma_semaphore, #tpu.memory_space<semaphore_mem>>
      %dma_start3A_318 = arith.constant 0 : i32
      %dma_start3A_319 = tpu.memref_slice %arg9[%run_scoped3A_10, %dma_start3A_318] : memref<4x128xi32, #tpu.memory_space<vmem>> -> memref<1x128xi32, #tpu.memory_space<vmem>>
      %dma_start3A_320 = tpu.memref_squeeze %dma_start3A_319 : memref<1x128xi32, #tpu.memory_space<vmem>> -> memref<128xi32, #tpu.memory_space<vmem>>
      %dma_start3A_321 = tpu.memref_slice %arg2[%add3A_9] : memref<16384xi32, #tpu.memory_space<hbm>> -> memref<128xi32, #tpu.memory_space<hbm>>
      %dma_start3A_322 = arith.constant 0 : i32
      %dma_start3A_323 = tpu.memref_slice %arg9[%run_scoped3A_10, %dma_start3A_322] : memref<4x128xi32, #tpu.memory_space<vmem>> -> memref<1x128xi32, #tpu.memory_space<vmem>>
      %dma_start3A_324 = tpu.memref_squeeze %dma_start3A_323 : memref<1x128xi32, #tpu.memory_space<vmem>> -> memref<128xi32, #tpu.memory_space<vmem>>
      %dma_start3A_325 = tpu.memref_slice %arg2[%add3A_9] : memref<16384xi32, #tpu.memory_space<hbm>> -> memref<128xi32, #tpu.memory_space<hbm>>
      tpu.enqueue_dma source(%dma_start3A_325 : memref<128xi32, #tpu.memory_space<hbm>>) target(%dma_start3A_324 : memref<128xi32, #tpu.memory_space<vmem>>) target_semaphore(%run_scoped3A_317 : memref<!tpu.dma_semaphore, #tpu.memory_space<semaphore_mem>>)
      %dma_wait3A_326 = arith.constant 0 : i32
      %dma_wait3A_327 = tpu.memref_slice %arg9[%run_scoped3A_10, %dma_wait3A_326] : memref<4x128xi32, #tpu.memory_space<vmem>> -> memref<1x128xi32, #tpu.memory_space<vmem>>
      %dma_wait3A_328 = tpu.memref_squeeze %dma_wait3A_327 : memref<1x128xi32, #tpu.memory_space<vmem>> -> memref<128xi32, #tpu.memory_space<vmem>>
      %dma_wait3A_329 = tpu.memref_slice %arg2[%add3A_9] : memref<16384xi32, #tpu.memory_space<hbm>> -> memref<128xi32, #tpu.memory_space<hbm>>
      %dma_wait3A_330 = arith.constant 0 : i32
      %dma_wait3A_331 = tpu.memref_slice %arg9[%run_scoped3A_10, %dma_wait3A_330] : memref<4x128xi32, #tpu.memory_space<vmem>> -> memref<1x128xi32, #tpu.memory_space<vmem>>
      %dma_wait3A_332 = tpu.memref_squeeze %dma_wait3A_331 : memref<1x128xi32, #tpu.memory_space<vmem>> -> memref<128xi32, #tpu.memory_space<vmem>>
      %dma_wait3A_333 = tpu.memref_slice %arg2[%add3A_9] : memref<16384xi32, #tpu.memory_space<hbm>> -> memref<128xi32, #tpu.memory_space<hbm>>
      tpu.wait_dma2 semaphore(%run_scoped3A_317 : memref<!tpu.dma_semaphore, #tpu.memory_space<semaphore_mem>>) src(%dma_wait3A_333 : memref<128xi32, #tpu.memory_space<hbm>>) dst(%dma_wait3A_332 : memref<128xi32, #tpu.memory_space<vmem>>)
      tpu.yield
    }) : () -> ()
    %add3A_11 = arith.constant 128 : i32
    %add3A_12 = arith.addi %mul3A_2, %add3A_11 : i32
    %run_scoped3A_13 = arith.constant 1 : i32
    "tpu.region"() ({
      %run_scoped3A_317 = tpu.sem_alloc : memref<!tpu.dma_semaphore, #tpu.memory_space<semaphore_mem>>
      %dma_start3A_318 = arith.constant 0 : i32
      %dma_start3A_319 = tpu.memref_slice %arg10[%run_scoped3A_13, %dma_start3A_318] : memref<4x128xi32, #tpu.memory_space<vmem>> -> memref<1x128xi32, #tpu.memory_space<vmem>>
      %dma_start3A_320 = tpu.memref_squeeze %dma_start3A_319 : memref<1x128xi32, #tpu.memory_space<vmem>> -> memref<128xi32, #tpu.memory_space<vmem>>
      %dma_start3A_321 = tpu.memref_slice %arg3[%add3A_12] : memref<16384xi32, #tpu.memory_space<hbm>> -> memref<128xi32, #tpu.memory_space<hbm>>
      %dma_start3A_322 = arith.constant 0 : i32
      %dma_start3A_323 = tpu.memref_slice %arg10[%run_scoped3A_13, %dma_start3A_322] : memref<4x128xi32, #tpu.memory_space<vmem>> -> memref<1x128xi32, #tpu.memory_space<vmem>>
      %dma_start3A_324 = tpu.memref_squeeze %dma_start3A_323 : memref<1x128xi32, #tpu.memory_space<vmem>> -> memref<128xi32, #tpu.memory_space<vmem>>
      %dma_start3A_325 = tpu.memref_slice %arg3[%add3A_12] : memref<16384xi32, #tpu.memory_space<hbm>> -> memref<128xi32, #tpu.memory_space<hbm>>
      tpu.enqueue_dma source(%dma_start3A_325 : memref<128xi32, #tpu.memory_space<hbm>>) target(%dma_start3A_324 : memref<128xi32, #tpu.memory_space<vmem>>) target_semaphore(%run_scoped3A_317 : memref<!tpu.dma_semaphore, #tpu.memory_space<semaphore_mem>>)
      %dma_wait3A_326 = arith.constant 0 : i32
      %dma_wait3A_327 = tpu.memref_slice %arg10[%run_scoped3A_13, %dma_wait3A_326] : memref<4x128xi32, #tpu.memory_space<vmem>> -> memref<1x128xi32, #tpu.memory_space<vmem>>
      %dma_wait3A_328 = tpu.memref_squeeze %dma_wait3A_327 : memref<1x128xi32, #tpu.memory_space<vmem>> -> memref<128xi32, #tpu.memory_space<vmem>>
      %dma_wait3A_329 = tpu.memref_slice %arg3[%add3A_12] : memref<16384xi32, #tpu.memory_space<hbm>> -> memref<128xi32, #tpu.memory_space<hbm>>
      %dma_wait3A_330 = arith.constant 0 : i32
      %dma_wait3A_331 = tpu.memref_slice %arg10[%run_scoped3A_13, %dma_wait3A_330] : memref<4x128xi32, #tpu.memory_space<vmem>> -> memref<1x128xi32, #tpu.memory_space<vmem>>
      %dma_wait3A_332 = tpu.memref_squeeze %dma_wait3A_331 : memref<1x128xi32, #tpu.memory_space<vmem>> -> memref<128xi32, #tpu.memory_space<vmem>>
      %dma_wait3A_333 = tpu.memref_slice %arg3[%add3A_12] : memref<16384xi32, #tpu.memory_space<hbm>> -> memref<128xi32, #tpu.memory_space<hbm>>
      tpu.wait_dma2 semaphore(%run_scoped3A_317 : memref<!tpu.dma_semaphore, #tpu.memory_space<semaphore_mem>>) src(%dma_wait3A_333 : memref<128xi32, #tpu.memory_space<hbm>>) dst(%dma_wait3A_332 : memref<128xi32, #tpu.memory_space<vmem>>)
      tpu.yield
    }) : () -> ()
    %add3A_14 = arith.constant 256 : i32
    %add3A_15 = arith.addi %mul3A_2, %add3A_14 : i32
    %run_scoped3A_16 = arith.constant 2 : i32
    "tpu.region"() ({
      %run_scoped3A_317 = tpu.sem_alloc : memref<!tpu.dma_semaphore, #tpu.memory_space<semaphore_mem>>
      %dma_start3A_318 = arith.constant 0 : i32
      %dma_start3A_319 = tpu.memref_slice %arg9[%run_scoped3A_16, %dma_start3A_318] : memref<4x128xi32, #tpu.memory_space<vmem>> -> memref<1x128xi32, #tpu.memory_space<vmem>>
      %dma_start3A_320 = tpu.memref_squeeze %dma_start3A_319 : memref<1x128xi32, #tpu.memory_space<vmem>> -> memref<128xi32, #tpu.memory_space<vmem>>
      %dma_start3A_321 = tpu.memref_slice %arg2[%add3A_15] : memref<16384xi32, #tpu.memory_space<hbm>> -> memref<128xi32, #tpu.memory_space<hbm>>
      %dma_start3A_322 = arith.constant 0 : i32
      %dma_start3A_323 = tpu.memref_slice %arg9[%run_scoped3A_16, %dma_start3A_322] : memref<4x128xi32, #tpu.memory_space<vmem>> -> memref<1x128xi32, #tpu.memory_space<vmem>>
      %dma_start3A_324 = tpu.memref_squeeze %dma_start3A_323 : memref<1x128xi32, #tpu.memory_space<vmem>> -> memref<128xi32, #tpu.memory_space<vmem>>
      %dma_start3A_325 = tpu.memref_slice %arg2[%add3A_15] : memref<16384xi32, #tpu.memory_space<hbm>> -> memref<128xi32, #tpu.memory_space<hbm>>
      tpu.enqueue_dma source(%dma_start3A_325 : memref<128xi32, #tpu.memory_space<hbm>>) target(%dma_start3A_324 : memref<128xi32, #tpu.memory_space<vmem>>) target_semaphore(%run_scoped3A_317 : memref<!tpu.dma_semaphore, #tpu.memory_space<semaphore_mem>>)
      %dma_wait3A_326 = arith.constant 0 : i32
      %dma_wait3A_327 = tpu.memref_slice %arg9[%run_scoped3A_16, %dma_wait3A_326] : memref<4x128xi32, #tpu.memory_space<vmem>> -> memref<1x128xi32, #tpu.memory_space<vmem>>
      %dma_wait3A_328 = tpu.memref_squeeze %dma_wait3A_327 : memref<1x128xi32, #tpu.memory_space<vmem>> -> memref<128xi32, #tpu.memory_space<vmem>>
      %dma_wait3A_329 = tpu.memref_slice %arg2[%add3A_15] : memref<16384xi32, #tpu.memory_space<hbm>> -> memref<128xi32, #tpu.memory_space<hbm>>
      %dma_wait3A_330 = arith.constant 0 : i32
      %dma_wait3A_331 = tpu.memref_slice %arg9[%run_scoped3A_16, %dma_wait3A_330] : memref<4x128xi32, #tpu.memory_space<vmem>> -> memref<1x128xi32, #tpu.memory_space<vmem>>
      %dma_wait3A_332 = tpu.memref_squeeze %dma_wait3A_331 : memref<1x128xi32, #tpu.memory_space<vmem>> -> memref<128xi32, #tpu.memory_space<vmem>>
      %dma_wait3A_333 = tpu.memref_slice %arg2[%add3A_15] : memref<16384xi32, #tpu.memory_space<hbm>> -> memref<128xi32, #tpu.memory_space<hbm>>
      tpu.wait_dma2 semaphore(%run_scoped3A_317 : memref<!tpu.dma_semaphore, #tpu.memory_space<semaphore_mem>>) src(%dma_wait3A_333 : memref<128xi32, #tpu.memory_space<hbm>>) dst(%dma_wait3A_332 : memref<128xi32, #tpu.memory_space<vmem>>)
      tpu.yield
    }) : () -> ()
    %add3A_17 = arith.constant 256 : i32
    %add3A_18 = arith.addi %mul3A_2, %add3A_17 : i32
    %run_scoped3A_19 = arith.constant 2 : i32
    "tpu.region"() ({
      %run_scoped3A_317 = tpu.sem_alloc : memref<!tpu.dma_semaphore, #tpu.memory_space<semaphore_mem>>
      %dma_start3A_318 = arith.constant 0 : i32
      %dma_start3A_319 = tpu.memref_slice %arg10[%run_scoped3A_19, %dma_start3A_318] : memref<4x128xi32, #tpu.memory_space<vmem>> -> memref<1x128xi32, #tpu.memory_space<vmem>>
      %dma_start3A_320 = tpu.memref_squeeze %dma_start3A_319 : memref<1x128xi32, #tpu.memory_space<vmem>> -> memref<128xi32, #tpu.memory_space<vmem>>
      %dma_start3A_321 = tpu.memref_slice %arg3[%add3A_18] : memref<16384xi32, #tpu.memory_space<hbm>> -> memref<128xi32, #tpu.memory_space<hbm>>
      %dma_start3A_322 = arith.constant 0 : i32
      %dma_start3A_323 = tpu.memref_slice %arg10[%run_scoped3A_19, %dma_start3A_322] : memref<4x128xi32, #tpu.memory_space<vmem>> -> memref<1x128xi32, #tpu.memory_space<vmem>>
      %dma_start3A_324 = tpu.memref_squeeze %dma_start3A_323 : memref<1x128xi32, #tpu.memory_space<vmem>> -> memref<128xi32, #tpu.memory_space<vmem>>
      %dma_start3A_325 = tpu.memref_slice %arg3[%add3A_18] : memref<16384xi32, #tpu.memory_space<hbm>> -> memref<128xi32, #tpu.memory_space<hbm>>
      tpu.enqueue_dma source(%dma_start3A_325 : memref<128xi32, #tpu.memory_space<hbm>>) target(%dma_start3A_324 : memref<128xi32, #tpu.memory_space<vmem>>) target_semaphore(%run_scoped3A_317 : memref<!tpu.dma_semaphore, #tpu.memory_space<semaphore_mem>>)
      %dma_wait3A_326 = arith.constant 0 : i32
      %dma_wait3A_327 = tpu.memref_slice %arg10[%run_scoped3A_19, %dma_wait3A_326] : memref<4x128xi32, #tpu.memory_space<vmem>> -> memref<1x128xi32, #tpu.memory_space<vmem>>
      %dma_wait3A_328 = tpu.memref_squeeze %dma_wait3A_327 : memref<1x128xi32, #tpu.memory_space<vmem>> -> memref<128xi32, #tpu.memory_space<vmem>>
      %dma_wait3A_329 = tpu.memref_slice %arg3[%add3A_18] : memref<16384xi32, #tpu.memory_space<hbm>> -> memref<128xi32, #tpu.memory_space<hbm>>
      %dma_wait3A_330 = arith.constant 0 : i32
      %dma_wait3A_331 = tpu.memref_slice %arg10[%run_scoped3A_19, %dma_wait3A_330] : memref<4x128xi32, #tpu.memory_space<vmem>> -> memref<1x128xi32, #tpu.memory_space<vmem>>
      %dma_wait3A_332 = tpu.memref_squeeze %dma_wait3A_331 : memref<1x128xi32, #tpu.memory_space<vmem>> -> memref<128xi32, #tpu.memory_space<vmem>>
      %dma_wait3A_333 = tpu.memref_slice %arg3[%add3A_18] : memref<16384xi32, #tpu.memory_space<hbm>> -> memref<128xi32, #tpu.memory_space<hbm>>
      tpu.wait_dma2 semaphore(%run_scoped3A_317 : memref<!tpu.dma_semaphore, #tpu.memory_space<semaphore_mem>>) src(%dma_wait3A_333 : memref<128xi32, #tpu.memory_space<hbm>>) dst(%dma_wait3A_332 : memref<128xi32, #tpu.memory_space<vmem>>)
      tpu.yield
    }) : () -> ()
    %add3A_20 = arith.constant 384 : i32
    %add3A_21 = arith.addi %mul3A_2, %add3A_20 : i32
    %run_scoped3A_22 = arith.constant 3 : i32
    "tpu.region"() ({
      %run_scoped3A_317 = tpu.sem_alloc : memref<!tpu.dma_semaphore, #tpu.memory_space<semaphore_mem>>
      %dma_start3A_318 = arith.constant 0 : i32
      %dma_start3A_319 = tpu.memref_slice %arg9[%run_scoped3A_22, %dma_start3A_318] : memref<4x128xi32, #tpu.memory_space<vmem>> -> memref<1x128xi32, #tpu.memory_space<vmem>>
      %dma_start3A_320 = tpu.memref_squeeze %dma_start3A_319 : memref<1x128xi32, #tpu.memory_space<vmem>> -> memref<128xi32, #tpu.memory_space<vmem>>
      %dma_start3A_321 = tpu.memref_slice %arg2[%add3A_21] : memref<16384xi32, #tpu.memory_space<hbm>> -> memref<128xi32, #tpu.memory_space<hbm>>
      %dma_start3A_322 = arith.constant 0 : i32
      %dma_start3A_323 = tpu.memref_slice %arg9[%run_scoped3A_22, %dma_start3A_322] : memref<4x128xi32, #tpu.memory_space<vmem>> -> memref<1x128xi32, #tpu.memory_space<vmem>>
      %dma_start3A_324 = tpu.memref_squeeze %dma_start3A_323 : memref<1x128xi32, #tpu.memory_space<vmem>> -> memref<128xi32, #tpu.memory_space<vmem>>
      %dma_start3A_325 = tpu.memref_slice %arg2[%add3A_21] : memref<16384xi32, #tpu.memory_space<hbm>> -> memref<128xi32, #tpu.memory_space<hbm>>
      tpu.enqueue_dma source(%dma_start3A_325 : memref<128xi32, #tpu.memory_space<hbm>>) target(%dma_start3A_324 : memref<128xi32, #tpu.memory_space<vmem>>) target_semaphore(%run_scoped3A_317 : memref<!tpu.dma_semaphore, #tpu.memory_space<semaphore_mem>>)
      %dma_wait3A_326 = arith.constant 0 : i32
      %dma_wait3A_327 = tpu.memref_slice %arg9[%run_scoped3A_22, %dma_wait3A_326] : memref<4x128xi32, #tpu.memory_space<vmem>> -> memref<1x128xi32, #tpu.memory_space<vmem>>
      %dma_wait3A_328 = tpu.memref_squeeze %dma_wait3A_327 : memref<1x128xi32, #tpu.memory_space<vmem>> -> memref<128xi32, #tpu.memory_space<vmem>>
      %dma_wait3A_329 = tpu.memref_slice %arg2[%add3A_21] : memref<16384xi32, #tpu.memory_space<hbm>> -> memref<128xi32, #tpu.memory_space<hbm>>
      %dma_wait3A_330 = arith.constant 0 : i32
      %dma_wait3A_331 = tpu.memref_slice %arg9[%run_scoped3A_22, %dma_wait3A_330] : memref<4x128xi32, #tpu.memory_space<vmem>> -> memref<1x128xi32, #tpu.memory_space<vmem>>
      %dma_wait3A_332 = tpu.memref_squeeze %dma_wait3A_331 : memref<1x128xi32, #tpu.memory_space<vmem>> -> memref<128xi32, #tpu.memory_space<vmem>>
      %dma_wait3A_333 = tpu.memref_slice %arg2[%add3A_21] : memref<16384xi32, #tpu.memory_space<hbm>> -> memref<128xi32, #tpu.memory_space<hbm>>
      tpu.wait_dma2 semaphore(%run_scoped3A_317 : memref<!tpu.dma_semaphore, #tpu.memory_space<semaphore_mem>>) src(%dma_wait3A_333 : memref<128xi32, #tpu.memory_space<hbm>>) dst(%dma_wait3A_332 : memref<128xi32, #tpu.memory_space<vmem>>)
      tpu.yield
    }) : () -> ()
    %add3A_23 = arith.constant 384 : i32
    %add3A_24 = arith.addi %mul3A_2, %add3A_23 : i32
    %run_scoped3A_25 = arith.constant 3 : i32
    "tpu.region"() ({
      %run_scoped3A_317 = tpu.sem_alloc : memref<!tpu.dma_semaphore, #tpu.memory_space<semaphore_mem>>
      %dma_start3A_318 = arith.constant 0 : i32
      %dma_start3A_319 = tpu.memref_slice %arg10[%run_scoped3A_25, %dma_start3A_318] : memref<4x128xi32, #tpu.memory_space<vmem>> -> memref<1x128xi32, #tpu.memory_space<vmem>>
      %dma_start3A_320 = tpu.memref_squeeze %dma_start3A_319 : memref<1x128xi32, #tpu.memory_space<vmem>> -> memref<128xi32, #tpu.memory_space<vmem>>
      %dma_start3A_321 = tpu.memref_slice %arg3[%add3A_24] : memref<16384xi32, #tpu.memory_space<hbm>> -> memref<128xi32, #tpu.memory_space<hbm>>
      %dma_start3A_322 = arith.constant 0 : i32
      %dma_start3A_323 = tpu.memref_slice %arg10[%run_scoped3A_25, %dma_start3A_322] : memref<4x128xi32, #tpu.memory_space<vmem>> -> memref<1x128xi32, #tpu.memory_space<vmem>>
      %dma_start3A_324 = tpu.memref_squeeze %dma_start3A_323 : memref<1x128xi32, #tpu.memory_space<vmem>> -> memref<128xi32, #tpu.memory_space<vmem>>
      %dma_start3A_325 = tpu.memref_slice %arg3[%add3A_24] : memref<16384xi32, #tpu.memory_space<hbm>> -> memref<128xi32, #tpu.memory_space<hbm>>
      tpu.enqueue_dma source(%dma_start3A_325 : memref<128xi32, #tpu.memory_space<hbm>>) target(%dma_start3A_324 : memref<128xi32, #tpu.memory_space<vmem>>) target_semaphore(%run_scoped3A_317 : memref<!tpu.dma_semaphore, #tpu.memory_space<semaphore_mem>>)
      %dma_wait3A_326 = arith.constant 0 : i32
      %dma_wait3A_327 = tpu.memref_slice %arg10[%run_scoped3A_25, %dma_wait3A_326] : memref<4x128xi32, #tpu.memory_space<vmem>> -> memref<1x128xi32, #tpu.memory_space<vmem>>
      %dma_wait3A_328 = tpu.memref_squeeze %dma_wait3A_327 : memref<1x128xi32, #tpu.memory_space<vmem>> -> memref<128xi32, #tpu.memory_space<vmem>>
      %dma_wait3A_329 = tpu.memref_slice %arg3[%add3A_24] : memref<16384xi32, #tpu.memory_space<hbm>> -> memref<128xi32, #tpu.memory_space<hbm>>
      %dma_wait3A_330 = arith.constant 0 : i32
      %dma_wait3A_331 = tpu.memref_slice %arg10[%run_scoped3A_25, %dma_wait3A_330] : memref<4x128xi32, #tpu.memory_space<vmem>> -> memref<1x128xi32, #tpu.memory_space<vmem>>
      %dma_wait3A_332 = tpu.memref_squeeze %dma_wait3A_331 : memref<1x128xi32, #tpu.memory_space<vmem>> -> memref<128xi32, #tpu.memory_space<vmem>>
      %dma_wait3A_333 = tpu.memref_slice %arg3[%add3A_24] : memref<16384xi32, #tpu.memory_space<hbm>> -> memref<128xi32, #tpu.memory_space<hbm>>
      tpu.wait_dma2 semaphore(%run_scoped3A_317 : memref<!tpu.dma_semaphore, #tpu.memory_space<semaphore_mem>>) src(%dma_wait3A_333 : memref<128xi32, #tpu.memory_space<hbm>>) dst(%dma_wait3A_332 : memref<128xi32, #tpu.memory_space<vmem>>)
      tpu.yield
    }) : () -> ()
    %dma_start3A = arith.constant 0 : i32
    %dma_start3A_26 = arith.constant 0 : i32
    %dma_start3A_27 = arith.constant 0 : i32
    %dma_start3A_28 = tpu.memref_slice %arg11[%dma_start3A_26, %dma_start3A_27] : memref<512x32xf32, #tpu.memory_space<vmem>> -> memref<128x32xf32, #tpu.memory_space<vmem>>
    %dma_start3A_29 = arith.constant 0 : i32
    %dma_start3A_30 = tpu.memref_slice %arg9[%dma_start3A, %dma_start3A_29] : memref<4x128xi32, #tpu.memory_space<vmem>> -> memref<1x128xi32, #tpu.memory_space<vmem>>
    %dma_start3A_31 = tpu.memref_squeeze %dma_start3A_30 : memref<1x128xi32, #tpu.memory_space<vmem>> -> memref<128xi32, #tpu.memory_space<vmem>>
    %dma_start3A_32 = arith.constant 0 : i32
    %dma_start3A_33 = arith.constant 0 : i32
    %dma_start3A_34 = tpu.memref_slice %arg4[%dma_start3A_32, %dma_start3A_33] : memref<1000001x32xf32, #tpu.memory_space<hbm>> -> memref<1000001x32xf32, #tpu.memory_space<hbm>>
    tpu.enqueue_indirect_dma source(%dma_start3A_34 : memref<1000001x32xf32, #tpu.memory_space<hbm>>) target(%dma_start3A_28 : memref<128x32xf32, #tpu.memory_space<vmem>>) offsets(%dma_start3A_31 : memref<128xi32, #tpu.memory_space<vmem>>) semaphore(%arg17 : memref<!tpu.dma_semaphore, #tpu.memory_space<semaphore_mem>>)
    %dma_start3A_35 = arith.constant 0 : i32
    %dma_start3A_36 = arith.constant 0 : i32
    %dma_start3A_37 = arith.constant 0 : i32
    %dma_start3A_38 = tpu.memref_slice %arg12[%dma_start3A_36, %dma_start3A_37] : memref<512x32xf32, #tpu.memory_space<vmem>> -> memref<128x32xf32, #tpu.memory_space<vmem>>
    %dma_start3A_39 = arith.constant 0 : i32
    %dma_start3A_40 = tpu.memref_slice %arg10[%dma_start3A_35, %dma_start3A_39] : memref<4x128xi32, #tpu.memory_space<vmem>> -> memref<1x128xi32, #tpu.memory_space<vmem>>
    %dma_start3A_41 = tpu.memref_squeeze %dma_start3A_40 : memref<1x128xi32, #tpu.memory_space<vmem>> -> memref<128xi32, #tpu.memory_space<vmem>>
    %dma_start3A_42 = arith.constant 0 : i32
    %dma_start3A_43 = arith.constant 0 : i32
    %dma_start3A_44 = tpu.memref_slice %arg6[%dma_start3A_42, %dma_start3A_43] : memref<1000001x32xf32, #tpu.memory_space<hbm>> -> memref<1000001x32xf32, #tpu.memory_space<hbm>>
    tpu.enqueue_indirect_dma source(%dma_start3A_44 : memref<1000001x32xf32, #tpu.memory_space<hbm>>) target(%dma_start3A_38 : memref<128x32xf32, #tpu.memory_space<vmem>>) offsets(%dma_start3A_41 : memref<128xi32, #tpu.memory_space<vmem>>) semaphore(%arg17 : memref<!tpu.dma_semaphore, #tpu.memory_space<semaphore_mem>>)
    %dma_start3A_45 = arith.constant 0 : i32
    %dma_start3A_46 = arith.constant 0 : i32
    %dma_start3A_47 = tpu.memref_slice %arg13[%dma_start3A_46] : memref<512xf32, #tpu.memory_space<vmem>> -> memref<128xf32, #tpu.memory_space<vmem>>
    %dma_start3A_48 = arith.constant 0 : i32
    %dma_start3A_49 = tpu.memref_slice %arg9[%dma_start3A_45, %dma_start3A_48] : memref<4x128xi32, #tpu.memory_space<vmem>> -> memref<1x128xi32, #tpu.memory_space<vmem>>
    %dma_start3A_50 = tpu.memref_squeeze %dma_start3A_49 : memref<1x128xi32, #tpu.memory_space<vmem>> -> memref<128xi32, #tpu.memory_space<vmem>>
    %dma_start3A_51 = arith.constant 0 : i32
    %dma_start3A_52 = tpu.memref_slice %arg5[%dma_start3A_51] : memref<1000001xf32, #tpu.memory_space<hbm>> -> memref<1000001xf32, #tpu.memory_space<hbm>>
    tpu.enqueue_indirect_dma source(%dma_start3A_52 : memref<1000001xf32, #tpu.memory_space<hbm>>) target(%dma_start3A_47 : memref<128xf32, #tpu.memory_space<vmem>>) offsets(%dma_start3A_50 : memref<128xi32, #tpu.memory_space<vmem>>) semaphore(%arg17 : memref<!tpu.dma_semaphore, #tpu.memory_space<semaphore_mem>>)
    %dma_start3A_53 = arith.constant 0 : i32
    %dma_start3A_54 = arith.constant 0 : i32
    %dma_start3A_55 = tpu.memref_slice %arg14[%dma_start3A_54] : memref<512xf32, #tpu.memory_space<vmem>> -> memref<128xf32, #tpu.memory_space<vmem>>
    %dma_start3A_56 = arith.constant 0 : i32
    %dma_start3A_57 = tpu.memref_slice %arg10[%dma_start3A_53, %dma_start3A_56] : memref<4x128xi32, #tpu.memory_space<vmem>> -> memref<1x128xi32, #tpu.memory_space<vmem>>
    %dma_start3A_58 = tpu.memref_squeeze %dma_start3A_57 : memref<1x128xi32, #tpu.memory_space<vmem>> -> memref<128xi32, #tpu.memory_space<vmem>>
    %dma_start3A_59 = arith.constant 0 : i32
    %dma_start3A_60 = tpu.memref_slice %arg7[%dma_start3A_59] : memref<1000001xf32, #tpu.memory_space<hbm>> -> memref<1000001xf32, #tpu.memory_space<hbm>>
    tpu.enqueue_indirect_dma source(%dma_start3A_60 : memref<1000001xf32, #tpu.memory_space<hbm>>) target(%dma_start3A_55 : memref<128xf32, #tpu.memory_space<vmem>>) offsets(%dma_start3A_58 : memref<128xi32, #tpu.memory_space<vmem>>) semaphore(%arg17 : memref<!tpu.dma_semaphore, #tpu.memory_space<semaphore_mem>>)
    %dma_start3A_61 = arith.constant 1 : i32
    %dma_start3A_62 = arith.constant 128 : i32
    %dma_start3A_63 = arith.constant 0 : i32
    %dma_start3A_64 = tpu.memref_slice %arg11[%dma_start3A_62, %dma_start3A_63] : memref<512x32xf32, #tpu.memory_space<vmem>> -> memref<128x32xf32, #tpu.memory_space<vmem>>
    %dma_start3A_65 = arith.constant 0 : i32
    %dma_start3A_66 = tpu.memref_slice %arg9[%dma_start3A_61, %dma_start3A_65] : memref<4x128xi32, #tpu.memory_space<vmem>> -> memref<1x128xi32, #tpu.memory_space<vmem>>
    %dma_start3A_67 = tpu.memref_squeeze %dma_start3A_66 : memref<1x128xi32, #tpu.memory_space<vmem>> -> memref<128xi32, #tpu.memory_space<vmem>>
    %dma_start3A_68 = arith.constant 0 : i32
    %dma_start3A_69 = arith.constant 0 : i32
    %dma_start3A_70 = tpu.memref_slice %arg4[%dma_start3A_68, %dma_start3A_69] : memref<1000001x32xf32, #tpu.memory_space<hbm>> -> memref<1000001x32xf32, #tpu.memory_space<hbm>>
    tpu.enqueue_indirect_dma source(%dma_start3A_70 : memref<1000001x32xf32, #tpu.memory_space<hbm>>) target(%dma_start3A_64 : memref<128x32xf32, #tpu.memory_space<vmem>>) offsets(%dma_start3A_67 : memref<128xi32, #tpu.memory_space<vmem>>) semaphore(%arg17 : memref<!tpu.dma_semaphore, #tpu.memory_space<semaphore_mem>>)
    %dma_start3A_71 = arith.constant 1 : i32
    %dma_start3A_72 = arith.constant 128 : i32
    %dma_start3A_73 = arith.constant 0 : i32
    %dma_start3A_74 = tpu.memref_slice %arg12[%dma_start3A_72, %dma_start3A_73] : memref<512x32xf32, #tpu.memory_space<vmem>> -> memref<128x32xf32, #tpu.memory_space<vmem>>
    %dma_start3A_75 = arith.constant 0 : i32
    %dma_start3A_76 = tpu.memref_slice %arg10[%dma_start3A_71, %dma_start3A_75] : memref<4x128xi32, #tpu.memory_space<vmem>> -> memref<1x128xi32, #tpu.memory_space<vmem>>
    %dma_start3A_77 = tpu.memref_squeeze %dma_start3A_76 : memref<1x128xi32, #tpu.memory_space<vmem>> -> memref<128xi32, #tpu.memory_space<vmem>>
    %dma_start3A_78 = arith.constant 0 : i32
    %dma_start3A_79 = arith.constant 0 : i32
    %dma_start3A_80 = tpu.memref_slice %arg6[%dma_start3A_78, %dma_start3A_79] : memref<1000001x32xf32, #tpu.memory_space<hbm>> -> memref<1000001x32xf32, #tpu.memory_space<hbm>>
    tpu.enqueue_indirect_dma source(%dma_start3A_80 : memref<1000001x32xf32, #tpu.memory_space<hbm>>) target(%dma_start3A_74 : memref<128x32xf32, #tpu.memory_space<vmem>>) offsets(%dma_start3A_77 : memref<128xi32, #tpu.memory_space<vmem>>) semaphore(%arg17 : memref<!tpu.dma_semaphore, #tpu.memory_space<semaphore_mem>>)
    %dma_start3A_81 = arith.constant 1 : i32
    %dma_start3A_82 = arith.constant 128 : i32
    %dma_start3A_83 = tpu.memref_slice %arg13[%dma_start3A_82] : memref<512xf32, #tpu.memory_space<vmem>> -> memref<128xf32, #tpu.memory_space<vmem>>
    %dma_start3A_84 = arith.constant 0 : i32
    %dma_start3A_85 = tpu.memref_slice %arg9[%dma_start3A_81, %dma_start3A_84] : memref<4x128xi32, #tpu.memory_space<vmem>> -> memref<1x128xi32, #tpu.memory_space<vmem>>
    %dma_start3A_86 = tpu.memref_squeeze %dma_start3A_85 : memref<1x128xi32, #tpu.memory_space<vmem>> -> memref<128xi32, #tpu.memory_space<vmem>>
    %dma_start3A_87 = arith.constant 0 : i32
    %dma_start3A_88 = tpu.memref_slice %arg5[%dma_start3A_87] : memref<1000001xf32, #tpu.memory_space<hbm>> -> memref<1000001xf32, #tpu.memory_space<hbm>>
    tpu.enqueue_indirect_dma source(%dma_start3A_88 : memref<1000001xf32, #tpu.memory_space<hbm>>) target(%dma_start3A_83 : memref<128xf32, #tpu.memory_space<vmem>>) offsets(%dma_start3A_86 : memref<128xi32, #tpu.memory_space<vmem>>) semaphore(%arg17 : memref<!tpu.dma_semaphore, #tpu.memory_space<semaphore_mem>>)
    %dma_start3A_89 = arith.constant 1 : i32
    %dma_start3A_90 = arith.constant 128 : i32
    %dma_start3A_91 = tpu.memref_slice %arg14[%dma_start3A_90] : memref<512xf32, #tpu.memory_space<vmem>> -> memref<128xf32, #tpu.memory_space<vmem>>
    %dma_start3A_92 = arith.constant 0 : i32
    %dma_start3A_93 = tpu.memref_slice %arg10[%dma_start3A_89, %dma_start3A_92] : memref<4x128xi32, #tpu.memory_space<vmem>> -> memref<1x128xi32, #tpu.memory_space<vmem>>
    %dma_start3A_94 = tpu.memref_squeeze %dma_start3A_93 : memref<1x128xi32, #tpu.memory_space<vmem>> -> memref<128xi32, #tpu.memory_space<vmem>>
    %dma_start3A_95 = arith.constant 0 : i32
    %dma_start3A_96 = tpu.memref_slice %arg7[%dma_start3A_95] : memref<1000001xf32, #tpu.memory_space<hbm>> -> memref<1000001xf32, #tpu.memory_space<hbm>>
    tpu.enqueue_indirect_dma source(%dma_start3A_96 : memref<1000001xf32, #tpu.memory_space<hbm>>) target(%dma_start3A_91 : memref<128xf32, #tpu.memory_space<vmem>>) offsets(%dma_start3A_94 : memref<128xi32, #tpu.memory_space<vmem>>) semaphore(%arg17 : memref<!tpu.dma_semaphore, #tpu.memory_space<semaphore_mem>>)
    %dma_start3A_97 = arith.constant 2 : i32
    %dma_start3A_98 = arith.constant 256 : i32
    %dma_start3A_99 = arith.constant 0 : i32
    %dma_start3A_100 = tpu.memref_slice %arg11[%dma_start3A_98, %dma_start3A_99] : memref<512x32xf32, #tpu.memory_space<vmem>> -> memref<128x32xf32, #tpu.memory_space<vmem>>
    %dma_start3A_101 = arith.constant 0 : i32
    %dma_start3A_102 = tpu.memref_slice %arg9[%dma_start3A_97, %dma_start3A_101] : memref<4x128xi32, #tpu.memory_space<vmem>> -> memref<1x128xi32, #tpu.memory_space<vmem>>
    %dma_start3A_103 = tpu.memref_squeeze %dma_start3A_102 : memref<1x128xi32, #tpu.memory_space<vmem>> -> memref<128xi32, #tpu.memory_space<vmem>>
    %dma_start3A_104 = arith.constant 0 : i32
    %dma_start3A_105 = arith.constant 0 : i32
    %dma_start3A_106 = tpu.memref_slice %arg4[%dma_start3A_104, %dma_start3A_105] : memref<1000001x32xf32, #tpu.memory_space<hbm>> -> memref<1000001x32xf32, #tpu.memory_space<hbm>>
    tpu.enqueue_indirect_dma source(%dma_start3A_106 : memref<1000001x32xf32, #tpu.memory_space<hbm>>) target(%dma_start3A_100 : memref<128x32xf32, #tpu.memory_space<vmem>>) offsets(%dma_start3A_103 : memref<128xi32, #tpu.memory_space<vmem>>) semaphore(%arg17 : memref<!tpu.dma_semaphore, #tpu.memory_space<semaphore_mem>>)
    %dma_start3A_107 = arith.constant 2 : i32
    %dma_start3A_108 = arith.constant 256 : i32
    %dma_start3A_109 = arith.constant 0 : i32
    %dma_start3A_110 = tpu.memref_slice %arg12[%dma_start3A_108, %dma_start3A_109] : memref<512x32xf32, #tpu.memory_space<vmem>> -> memref<128x32xf32, #tpu.memory_space<vmem>>
    %dma_start3A_111 = arith.constant 0 : i32
    %dma_start3A_112 = tpu.memref_slice %arg10[%dma_start3A_107, %dma_start3A_111] : memref<4x128xi32, #tpu.memory_space<vmem>> -> memref<1x128xi32, #tpu.memory_space<vmem>>
    %dma_start3A_113 = tpu.memref_squeeze %dma_start3A_112 : memref<1x128xi32, #tpu.memory_space<vmem>> -> memref<128xi32, #tpu.memory_space<vmem>>
    %dma_start3A_114 = arith.constant 0 : i32
    %dma_start3A_115 = arith.constant 0 : i32
    %dma_start3A_116 = tpu.memref_slice %arg6[%dma_start3A_114, %dma_start3A_115] : memref<1000001x32xf32, #tpu.memory_space<hbm>> -> memref<1000001x32xf32, #tpu.memory_space<hbm>>
    tpu.enqueue_indirect_dma source(%dma_start3A_116 : memref<1000001x32xf32, #tpu.memory_space<hbm>>) target(%dma_start3A_110 : memref<128x32xf32, #tpu.memory_space<vmem>>) offsets(%dma_start3A_113 : memref<128xi32, #tpu.memory_space<vmem>>) semaphore(%arg17 : memref<!tpu.dma_semaphore, #tpu.memory_space<semaphore_mem>>)
    %dma_start3A_117 = arith.constant 2 : i32
    %dma_start3A_118 = arith.constant 256 : i32
    %dma_start3A_119 = tpu.memref_slice %arg13[%dma_start3A_118] : memref<512xf32, #tpu.memory_space<vmem>> -> memref<128xf32, #tpu.memory_space<vmem>>
    %dma_start3A_120 = arith.constant 0 : i32
    %dma_start3A_121 = tpu.memref_slice %arg9[%dma_start3A_117, %dma_start3A_120] : memref<4x128xi32, #tpu.memory_space<vmem>> -> memref<1x128xi32, #tpu.memory_space<vmem>>
    %dma_start3A_122 = tpu.memref_squeeze %dma_start3A_121 : memref<1x128xi32, #tpu.memory_space<vmem>> -> memref<128xi32, #tpu.memory_space<vmem>>
    %dma_start3A_123 = arith.constant 0 : i32
    %dma_start3A_124 = tpu.memref_slice %arg5[%dma_start3A_123] : memref<1000001xf32, #tpu.memory_space<hbm>> -> memref<1000001xf32, #tpu.memory_space<hbm>>
    tpu.enqueue_indirect_dma source(%dma_start3A_124 : memref<1000001xf32, #tpu.memory_space<hbm>>) target(%dma_start3A_119 : memref<128xf32, #tpu.memory_space<vmem>>) offsets(%dma_start3A_122 : memref<128xi32, #tpu.memory_space<vmem>>) semaphore(%arg17 : memref<!tpu.dma_semaphore, #tpu.memory_space<semaphore_mem>>)
    %dma_start3A_125 = arith.constant 2 : i32
    %dma_start3A_126 = arith.constant 256 : i32
    %dma_start3A_127 = tpu.memref_slice %arg14[%dma_start3A_126] : memref<512xf32, #tpu.memory_space<vmem>> -> memref<128xf32, #tpu.memory_space<vmem>>
    %dma_start3A_128 = arith.constant 0 : i32
    %dma_start3A_129 = tpu.memref_slice %arg10[%dma_start3A_125, %dma_start3A_128] : memref<4x128xi32, #tpu.memory_space<vmem>> -> memref<1x128xi32, #tpu.memory_space<vmem>>
    %dma_start3A_130 = tpu.memref_squeeze %dma_start3A_129 : memref<1x128xi32, #tpu.memory_space<vmem>> -> memref<128xi32, #tpu.memory_space<vmem>>
    %dma_start3A_131 = arith.constant 0 : i32
    %dma_start3A_132 = tpu.memref_slice %arg7[%dma_start3A_131] : memref<1000001xf32, #tpu.memory_space<hbm>> -> memref<1000001xf32, #tpu.memory_space<hbm>>
    tpu.enqueue_indirect_dma source(%dma_start3A_132 : memref<1000001xf32, #tpu.memory_space<hbm>>) target(%dma_start3A_127 : memref<128xf32, #tpu.memory_space<vmem>>) offsets(%dma_start3A_130 : memref<128xi32, #tpu.memory_space<vmem>>) semaphore(%arg17 : memref<!tpu.dma_semaphore, #tpu.memory_space<semaphore_mem>>)
    %dma_start3A_133 = arith.constant 3 : i32
    %dma_start3A_134 = arith.constant 384 : i32
    %dma_start3A_135 = arith.constant 0 : i32
    %dma_start3A_136 = tpu.memref_slice %arg11[%dma_start3A_134, %dma_start3A_135] : memref<512x32xf32, #tpu.memory_space<vmem>> -> memref<128x32xf32, #tpu.memory_space<vmem>>
    %dma_start3A_137 = arith.constant 0 : i32
    %dma_start3A_138 = tpu.memref_slice %arg9[%dma_start3A_133, %dma_start3A_137] : memref<4x128xi32, #tpu.memory_space<vmem>> -> memref<1x128xi32, #tpu.memory_space<vmem>>
    %dma_start3A_139 = tpu.memref_squeeze %dma_start3A_138 : memref<1x128xi32, #tpu.memory_space<vmem>> -> memref<128xi32, #tpu.memory_space<vmem>>
    %dma_start3A_140 = arith.constant 0 : i32
    %dma_start3A_141 = arith.constant 0 : i32
    %dma_start3A_142 = tpu.memref_slice %arg4[%dma_start3A_140, %dma_start3A_141] : memref<1000001x32xf32, #tpu.memory_space<hbm>> -> memref<1000001x32xf32, #tpu.memory_space<hbm>>
    tpu.enqueue_indirect_dma source(%dma_start3A_142 : memref<1000001x32xf32, #tpu.memory_space<hbm>>) target(%dma_start3A_136 : memref<128x32xf32, #tpu.memory_space<vmem>>) offsets(%dma_start3A_139 : memref<128xi32, #tpu.memory_space<vmem>>) semaphore(%arg17 : memref<!tpu.dma_semaphore, #tpu.memory_space<semaphore_mem>>)
    %dma_start3A_143 = arith.constant 3 : i32
    %dma_start3A_144 = arith.constant 384 : i32
    %dma_start3A_145 = arith.constant 0 : i32
    %dma_start3A_146 = tpu.memref_slice %arg12[%dma_start3A_144, %dma_start3A_145] : memref<512x32xf32, #tpu.memory_space<vmem>> -> memref<128x32xf32, #tpu.memory_space<vmem>>
    %dma_start3A_147 = arith.constant 0 : i32
    %dma_start3A_148 = tpu.memref_slice %arg10[%dma_start3A_143, %dma_start3A_147] : memref<4x128xi32, #tpu.memory_space<vmem>> -> memref<1x128xi32, #tpu.memory_space<vmem>>
    %dma_start3A_149 = tpu.memref_squeeze %dma_start3A_148 : memref<1x128xi32, #tpu.memory_space<vmem>> -> memref<128xi32, #tpu.memory_space<vmem>>
    %dma_start3A_150 = arith.constant 0 : i32
    %dma_start3A_151 = arith.constant 0 : i32
    %dma_start3A_152 = tpu.memref_slice %arg6[%dma_start3A_150, %dma_start3A_151] : memref<1000001x32xf32, #tpu.memory_space<hbm>> -> memref<1000001x32xf32, #tpu.memory_space<hbm>>
    tpu.enqueue_indirect_dma source(%dma_start3A_152 : memref<1000001x32xf32, #tpu.memory_space<hbm>>) target(%dma_start3A_146 : memref<128x32xf32, #tpu.memory_space<vmem>>) offsets(%dma_start3A_149 : memref<128xi32, #tpu.memory_space<vmem>>) semaphore(%arg17 : memref<!tpu.dma_semaphore, #tpu.memory_space<semaphore_mem>>)
    %dma_start3A_153 = arith.constant 3 : i32
    %dma_start3A_154 = arith.constant 384 : i32
    %dma_start3A_155 = tpu.memref_slice %arg13[%dma_start3A_154] : memref<512xf32, #tpu.memory_space<vmem>> -> memref<128xf32, #tpu.memory_space<vmem>>
    %dma_start3A_156 = arith.constant 0 : i32
    %dma_start3A_157 = tpu.memref_slice %arg9[%dma_start3A_153, %dma_start3A_156] : memref<4x128xi32, #tpu.memory_space<vmem>> -> memref<1x128xi32, #tpu.memory_space<vmem>>
    %dma_start3A_158 = tpu.memref_squeeze %dma_start3A_157 : memref<1x128xi32, #tpu.memory_space<vmem>> -> memref<128xi32, #tpu.memory_space<vmem>>
    %dma_start3A_159 = arith.constant 0 : i32
    %dma_start3A_160 = tpu.memref_slice %arg5[%dma_start3A_159] : memref<1000001xf32, #tpu.memory_space<hbm>> -> memref<1000001xf32, #tpu.memory_space<hbm>>
    tpu.enqueue_indirect_dma source(%dma_start3A_160 : memref<1000001xf32, #tpu.memory_space<hbm>>) target(%dma_start3A_155 : memref<128xf32, #tpu.memory_space<vmem>>) offsets(%dma_start3A_158 : memref<128xi32, #tpu.memory_space<vmem>>) semaphore(%arg17 : memref<!tpu.dma_semaphore, #tpu.memory_space<semaphore_mem>>)
    %dma_start3A_161 = arith.constant 3 : i32
    %dma_start3A_162 = arith.constant 384 : i32
    %dma_start3A_163 = tpu.memref_slice %arg14[%dma_start3A_162] : memref<512xf32, #tpu.memory_space<vmem>> -> memref<128xf32, #tpu.memory_space<vmem>>
    %dma_start3A_164 = arith.constant 0 : i32
    %dma_start3A_165 = tpu.memref_slice %arg10[%dma_start3A_161, %dma_start3A_164] : memref<4x128xi32, #tpu.memory_space<vmem>> -> memref<1x128xi32, #tpu.memory_space<vmem>>
    %dma_start3A_166 = tpu.memref_squeeze %dma_start3A_165 : memref<1x128xi32, #tpu.memory_space<vmem>> -> memref<128xi32, #tpu.memory_space<vmem>>
    %dma_start3A_167 = arith.constant 0 : i32
    %dma_start3A_168 = tpu.memref_slice %arg7[%dma_start3A_167] : memref<1000001xf32, #tpu.memory_space<hbm>> -> memref<1000001xf32, #tpu.memory_space<hbm>>
    tpu.enqueue_indirect_dma source(%dma_start3A_168 : memref<1000001xf32, #tpu.memory_space<hbm>>) target(%dma_start3A_163 : memref<128xf32, #tpu.memory_space<vmem>>) offsets(%dma_start3A_166 : memref<128xi32, #tpu.memory_space<vmem>>) semaphore(%arg17 : memref<!tpu.dma_semaphore, #tpu.memory_space<semaphore_mem>>)
    %dma_wait3A = arith.constant 0 : i32
    %dma_wait3A_169 = arith.constant 0 : i32
    %dma_wait3A_170 = arith.constant 0 : i32
    %dma_wait3A_171 = tpu.memref_slice %arg11[%dma_wait3A_169, %dma_wait3A_170] : memref<512x32xf32, #tpu.memory_space<vmem>> -> memref<128x32xf32, #tpu.memory_space<vmem>>
    %dma_wait3A_172 = arith.constant 0 : i32
    %dma_wait3A_173 = tpu.memref_slice %arg9[%dma_wait3A, %dma_wait3A_172] : memref<4x128xi32, #tpu.memory_space<vmem>> -> memref<1x128xi32, #tpu.memory_space<vmem>>
    %dma_wait3A_174 = tpu.memref_squeeze %dma_wait3A_173 : memref<1x128xi32, #tpu.memory_space<vmem>> -> memref<128xi32, #tpu.memory_space<vmem>>
    %dma_wait3A_175 = arith.constant 0 : i32
    %dma_wait3A_176 = arith.constant 0 : i32
    %dma_wait3A_177 = tpu.memref_slice %arg4[%dma_wait3A_175, %dma_wait3A_176] : memref<1000001x32xf32, #tpu.memory_space<hbm>> -> memref<1000001x32xf32, #tpu.memory_space<hbm>>
    tpu.wait_indirect_dma semaphore(%arg17 : memref<!tpu.dma_semaphore, #tpu.memory_space<semaphore_mem>>) src(%dma_wait3A_177 : memref<1000001x32xf32, #tpu.memory_space<hbm>>) dst(%dma_wait3A_171 : memref<128x32xf32, #tpu.memory_space<vmem>>)
    %dma_wait3A_178 = arith.constant 0 : i32
    %dma_wait3A_179 = arith.constant 0 : i32
    %dma_wait3A_180 = arith.constant 0 : i32
    %dma_wait3A_181 = tpu.memref_slice %arg12[%dma_wait3A_179, %dma_wait3A_180] : memref<512x32xf32, #tpu.memory_space<vmem>> -> memref<128x32xf32, #tpu.memory_space<vmem>>
    %dma_wait3A_182 = arith.constant 0 : i32
    %dma_wait3A_183 = tpu.memref_slice %arg10[%dma_wait3A_178, %dma_wait3A_182] : memref<4x128xi32, #tpu.memory_space<vmem>> -> memref<1x128xi32, #tpu.memory_space<vmem>>
    %dma_wait3A_184 = tpu.memref_squeeze %dma_wait3A_183 : memref<1x128xi32, #tpu.memory_space<vmem>> -> memref<128xi32, #tpu.memory_space<vmem>>
    %dma_wait3A_185 = arith.constant 0 : i32
    %dma_wait3A_186 = arith.constant 0 : i32
    %dma_wait3A_187 = tpu.memref_slice %arg6[%dma_wait3A_185, %dma_wait3A_186] : memref<1000001x32xf32, #tpu.memory_space<hbm>> -> memref<1000001x32xf32, #tpu.memory_space<hbm>>
    tpu.wait_indirect_dma semaphore(%arg17 : memref<!tpu.dma_semaphore, #tpu.memory_space<semaphore_mem>>) src(%dma_wait3A_187 : memref<1000001x32xf32, #tpu.memory_space<hbm>>) dst(%dma_wait3A_181 : memref<128x32xf32, #tpu.memory_space<vmem>>)
    %dma_wait3A_188 = arith.constant 0 : i32
    %dma_wait3A_189 = arith.constant 0 : i32
    %dma_wait3A_190 = tpu.memref_slice %arg13[%dma_wait3A_189] : memref<512xf32, #tpu.memory_space<vmem>> -> memref<128xf32, #tpu.memory_space<vmem>>
    %dma_wait3A_191 = arith.constant 0 : i32
    %dma_wait3A_192 = tpu.memref_slice %arg9[%dma_wait3A_188, %dma_wait3A_191] : memref<4x128xi32, #tpu.memory_space<vmem>> -> memref<1x128xi32, #tpu.memory_space<vmem>>
    %dma_wait3A_193 = tpu.memref_squeeze %dma_wait3A_192 : memref<1x128xi32, #tpu.memory_space<vmem>> -> memref<128xi32, #tpu.memory_space<vmem>>
    %dma_wait3A_194 = arith.constant 0 : i32
    %dma_wait3A_195 = tpu.memref_slice %arg5[%dma_wait3A_194] : memref<1000001xf32, #tpu.memory_space<hbm>> -> memref<1000001xf32, #tpu.memory_space<hbm>>
    tpu.wait_indirect_dma semaphore(%arg17 : memref<!tpu.dma_semaphore, #tpu.memory_space<semaphore_mem>>) src(%dma_wait3A_195 : memref<1000001xf32, #tpu.memory_space<hbm>>) dst(%dma_wait3A_190 : memref<128xf32, #tpu.memory_space<vmem>>)
    %dma_wait3A_196 = arith.constant 0 : i32
    %dma_wait3A_197 = arith.constant 0 : i32
    %dma_wait3A_198 = tpu.memref_slice %arg14[%dma_wait3A_197] : memref<512xf32, #tpu.memory_space<vmem>> -> memref<128xf32, #tpu.memory_space<vmem>>
    %dma_wait3A_199 = arith.constant 0 : i32
    %dma_wait3A_200 = tpu.memref_slice %arg10[%dma_wait3A_196, %dma_wait3A_199] : memref<4x128xi32, #tpu.memory_space<vmem>> -> memref<1x128xi32, #tpu.memory_space<vmem>>
    %dma_wait3A_201 = tpu.memref_squeeze %dma_wait3A_200 : memref<1x128xi32, #tpu.memory_space<vmem>> -> memref<128xi32, #tpu.memory_space<vmem>>
    %dma_wait3A_202 = arith.constant 0 : i32
    %dma_wait3A_203 = tpu.memref_slice %arg7[%dma_wait3A_202] : memref<1000001xf32, #tpu.memory_space<hbm>> -> memref<1000001xf32, #tpu.memory_space<hbm>>
    tpu.wait_indirect_dma semaphore(%arg17 : memref<!tpu.dma_semaphore, #tpu.memory_space<semaphore_mem>>) src(%dma_wait3A_203 : memref<1000001xf32, #tpu.memory_space<hbm>>) dst(%dma_wait3A_198 : memref<128xf32, #tpu.memory_space<vmem>>)
    %dma_wait3A_204 = arith.constant 1 : i32
    %dma_wait3A_205 = arith.constant 128 : i32
    %dma_wait3A_206 = arith.constant 0 : i32
    %dma_wait3A_207 = tpu.memref_slice %arg11[%dma_wait3A_205, %dma_wait3A_206] : memref<512x32xf32, #tpu.memory_space<vmem>> -> memref<128x32xf32, #tpu.memory_space<vmem>>
    %dma_wait3A_208 = arith.constant 0 : i32
    %dma_wait3A_209 = tpu.memref_slice %arg9[%dma_wait3A_204, %dma_wait3A_208] : memref<4x128xi32, #tpu.memory_space<vmem>> -> memref<1x128xi32, #tpu.memory_space<vmem>>
    %dma_wait3A_210 = tpu.memref_squeeze %dma_wait3A_209 : memref<1x128xi32, #tpu.memory_space<vmem>> -> memref<128xi32, #tpu.memory_space<vmem>>
    %dma_wait3A_211 = arith.constant 0 : i32
    %dma_wait3A_212 = arith.constant 0 : i32
    %dma_wait3A_213 = tpu.memref_slice %arg4[%dma_wait3A_211, %dma_wait3A_212] : memref<1000001x32xf32, #tpu.memory_space<hbm>> -> memref<1000001x32xf32, #tpu.memory_space<hbm>>
    tpu.wait_indirect_dma semaphore(%arg17 : memref<!tpu.dma_semaphore, #tpu.memory_space<semaphore_mem>>) src(%dma_wait3A_213 : memref<1000001x32xf32, #tpu.memory_space<hbm>>) dst(%dma_wait3A_207 : memref<128x32xf32, #tpu.memory_space<vmem>>)
    %dma_wait3A_214 = arith.constant 1 : i32
    %dma_wait3A_215 = arith.constant 128 : i32
    %dma_wait3A_216 = arith.constant 0 : i32
    %dma_wait3A_217 = tpu.memref_slice %arg12[%dma_wait3A_215, %dma_wait3A_216] : memref<512x32xf32, #tpu.memory_space<vmem>> -> memref<128x32xf32, #tpu.memory_space<vmem>>
    %dma_wait3A_218 = arith.constant 0 : i32
    %dma_wait3A_219 = tpu.memref_slice %arg10[%dma_wait3A_214, %dma_wait3A_218] : memref<4x128xi32, #tpu.memory_space<vmem>> -> memref<1x128xi32, #tpu.memory_space<vmem>>
    %dma_wait3A_220 = tpu.memref_squeeze %dma_wait3A_219 : memref<1x128xi32, #tpu.memory_space<vmem>> -> memref<128xi32, #tpu.memory_space<vmem>>
    %dma_wait3A_221 = arith.constant 0 : i32
    %dma_wait3A_222 = arith.constant 0 : i32
    %dma_wait3A_223 = tpu.memref_slice %arg6[%dma_wait3A_221, %dma_wait3A_222] : memref<1000001x32xf32, #tpu.memory_space<hbm>> -> memref<1000001x32xf32, #tpu.memory_space<hbm>>
    tpu.wait_indirect_dma semaphore(%arg17 : memref<!tpu.dma_semaphore, #tpu.memory_space<semaphore_mem>>) src(%dma_wait3A_223 : memref<1000001x32xf32, #tpu.memory_space<hbm>>) dst(%dma_wait3A_217 : memref<128x32xf32, #tpu.memory_space<vmem>>)
    %dma_wait3A_224 = arith.constant 1 : i32
    %dma_wait3A_225 = arith.constant 128 : i32
    %dma_wait3A_226 = tpu.memref_slice %arg13[%dma_wait3A_225] : memref<512xf32, #tpu.memory_space<vmem>> -> memref<128xf32, #tpu.memory_space<vmem>>
    %dma_wait3A_227 = arith.constant 0 : i32
    %dma_wait3A_228 = tpu.memref_slice %arg9[%dma_wait3A_224, %dma_wait3A_227] : memref<4x128xi32, #tpu.memory_space<vmem>> -> memref<1x128xi32, #tpu.memory_space<vmem>>
    %dma_wait3A_229 = tpu.memref_squeeze %dma_wait3A_228 : memref<1x128xi32, #tpu.memory_space<vmem>> -> memref<128xi32, #tpu.memory_space<vmem>>
    %dma_wait3A_230 = arith.constant 0 : i32
    %dma_wait3A_231 = tpu.memref_slice %arg5[%dma_wait3A_230] : memref<1000001xf32, #tpu.memory_space<hbm>> -> memref<1000001xf32, #tpu.memory_space<hbm>>
    tpu.wait_indirect_dma semaphore(%arg17 : memref<!tpu.dma_semaphore, #tpu.memory_space<semaphore_mem>>) src(%dma_wait3A_231 : memref<1000001xf32, #tpu.memory_space<hbm>>) dst(%dma_wait3A_226 : memref<128xf32, #tpu.memory_space<vmem>>)
    %dma_wait3A_232 = arith.constant 1 : i32
    %dma_wait3A_233 = arith.constant 128 : i32
    %dma_wait3A_234 = tpu.memref_slice %arg14[%dma_wait3A_233] : memref<512xf32, #tpu.memory_space<vmem>> -> memref<128xf32, #tpu.memory_space<vmem>>
    %dma_wait3A_235 = arith.constant 0 : i32
    %dma_wait3A_236 = tpu.memref_slice %arg10[%dma_wait3A_232, %dma_wait3A_235] : memref<4x128xi32, #tpu.memory_space<vmem>> -> memref<1x128xi32, #tpu.memory_space<vmem>>
    %dma_wait3A_237 = tpu.memref_squeeze %dma_wait3A_236 : memref<1x128xi32, #tpu.memory_space<vmem>> -> memref<128xi32, #tpu.memory_space<vmem>>
    %dma_wait3A_238 = arith.constant 0 : i32
    %dma_wait3A_239 = tpu.memref_slice %arg7[%dma_wait3A_238] : memref<1000001xf32, #tpu.memory_space<hbm>> -> memref<1000001xf32, #tpu.memory_space<hbm>>
    tpu.wait_indirect_dma semaphore(%arg17 : memref<!tpu.dma_semaphore, #tpu.memory_space<semaphore_mem>>) src(%dma_wait3A_239 : memref<1000001xf32, #tpu.memory_space<hbm>>) dst(%dma_wait3A_234 : memref<128xf32, #tpu.memory_space<vmem>>)
    %dma_wait3A_240 = arith.constant 2 : i32
    %dma_wait3A_241 = arith.constant 256 : i32
    %dma_wait3A_242 = arith.constant 0 : i32
    %dma_wait3A_243 = tpu.memref_slice %arg11[%dma_wait3A_241, %dma_wait3A_242] : memref<512x32xf32, #tpu.memory_space<vmem>> -> memref<128x32xf32, #tpu.memory_space<vmem>>
    %dma_wait3A_244 = arith.constant 0 : i32
    %dma_wait3A_245 = tpu.memref_slice %arg9[%dma_wait3A_240, %dma_wait3A_244] : memref<4x128xi32, #tpu.memory_space<vmem>> -> memref<1x128xi32, #tpu.memory_space<vmem>>
    %dma_wait3A_246 = tpu.memref_squeeze %dma_wait3A_245 : memref<1x128xi32, #tpu.memory_space<vmem>> -> memref<128xi32, #tpu.memory_space<vmem>>
    %dma_wait3A_247 = arith.constant 0 : i32
    %dma_wait3A_248 = arith.constant 0 : i32
    %dma_wait3A_249 = tpu.memref_slice %arg4[%dma_wait3A_247, %dma_wait3A_248] : memref<1000001x32xf32, #tpu.memory_space<hbm>> -> memref<1000001x32xf32, #tpu.memory_space<hbm>>
    tpu.wait_indirect_dma semaphore(%arg17 : memref<!tpu.dma_semaphore, #tpu.memory_space<semaphore_mem>>) src(%dma_wait3A_249 : memref<1000001x32xf32, #tpu.memory_space<hbm>>) dst(%dma_wait3A_243 : memref<128x32xf32, #tpu.memory_space<vmem>>)
    %dma_wait3A_250 = arith.constant 2 : i32
    %dma_wait3A_251 = arith.constant 256 : i32
    %dma_wait3A_252 = arith.constant 0 : i32
    %dma_wait3A_253 = tpu.memref_slice %arg12[%dma_wait3A_251, %dma_wait3A_252] : memref<512x32xf32, #tpu.memory_space<vmem>> -> memref<128x32xf32, #tpu.memory_space<vmem>>
    %dma_wait3A_254 = arith.constant 0 : i32
    %dma_wait3A_255 = tpu.memref_slice %arg10[%dma_wait3A_250, %dma_wait3A_254] : memref<4x128xi32, #tpu.memory_space<vmem>> -> memref<1x128xi32, #tpu.memory_space<vmem>>
    %dma_wait3A_256 = tpu.memref_squeeze %dma_wait3A_255 : memref<1x128xi32, #tpu.memory_space<vmem>> -> memref<128xi32, #tpu.memory_space<vmem>>
    %dma_wait3A_257 = arith.constant 0 : i32
    %dma_wait3A_258 = arith.constant 0 : i32
    %dma_wait3A_259 = tpu.memref_slice %arg6[%dma_wait3A_257, %dma_wait3A_258] : memref<1000001x32xf32, #tpu.memory_space<hbm>> -> memref<1000001x32xf32, #tpu.memory_space<hbm>>
    tpu.wait_indirect_dma semaphore(%arg17 : memref<!tpu.dma_semaphore, #tpu.memory_space<semaphore_mem>>) src(%dma_wait3A_259 : memref<1000001x32xf32, #tpu.memory_space<hbm>>) dst(%dma_wait3A_253 : memref<128x32xf32, #tpu.memory_space<vmem>>)
    %dma_wait3A_260 = arith.constant 2 : i32
    %dma_wait3A_261 = arith.constant 256 : i32
    %dma_wait3A_262 = tpu.memref_slice %arg13[%dma_wait3A_261] : memref<512xf32, #tpu.memory_space<vmem>> -> memref<128xf32, #tpu.memory_space<vmem>>
    %dma_wait3A_263 = arith.constant 0 : i32
    %dma_wait3A_264 = tpu.memref_slice %arg9[%dma_wait3A_260, %dma_wait3A_263] : memref<4x128xi32, #tpu.memory_space<vmem>> -> memref<1x128xi32, #tpu.memory_space<vmem>>
    %dma_wait3A_265 = tpu.memref_squeeze %dma_wait3A_264 : memref<1x128xi32, #tpu.memory_space<vmem>> -> memref<128xi32, #tpu.memory_space<vmem>>
    %dma_wait3A_266 = arith.constant 0 : i32
    %dma_wait3A_267 = tpu.memref_slice %arg5[%dma_wait3A_266] : memref<1000001xf32, #tpu.memory_space<hbm>> -> memref<1000001xf32, #tpu.memory_space<hbm>>
    tpu.wait_indirect_dma semaphore(%arg17 : memref<!tpu.dma_semaphore, #tpu.memory_space<semaphore_mem>>) src(%dma_wait3A_267 : memref<1000001xf32, #tpu.memory_space<hbm>>) dst(%dma_wait3A_262 : memref<128xf32, #tpu.memory_space<vmem>>)
    %dma_wait3A_268 = arith.constant 2 : i32
    %dma_wait3A_269 = arith.constant 256 : i32
    %dma_wait3A_270 = tpu.memref_slice %arg14[%dma_wait3A_269] : memref<512xf32, #tpu.memory_space<vmem>> -> memref<128xf32, #tpu.memory_space<vmem>>
    %dma_wait3A_271 = arith.constant 0 : i32
    %dma_wait3A_272 = tpu.memref_slice %arg10[%dma_wait3A_268, %dma_wait3A_271] : memref<4x128xi32, #tpu.memory_space<vmem>> -> memref<1x128xi32, #tpu.memory_space<vmem>>
    %dma_wait3A_273 = tpu.memref_squeeze %dma_wait3A_272 : memref<1x128xi32, #tpu.memory_space<vmem>> -> memref<128xi32, #tpu.memory_space<vmem>>
    %dma_wait3A_274 = arith.constant 0 : i32
    %dma_wait3A_275 = tpu.memref_slice %arg7[%dma_wait3A_274] : memref<1000001xf32, #tpu.memory_space<hbm>> -> memref<1000001xf32, #tpu.memory_space<hbm>>
    tpu.wait_indirect_dma semaphore(%arg17 : memref<!tpu.dma_semaphore, #tpu.memory_space<semaphore_mem>>) src(%dma_wait3A_275 : memref<1000001xf32, #tpu.memory_space<hbm>>) dst(%dma_wait3A_270 : memref<128xf32, #tpu.memory_space<vmem>>)
    %dma_wait3A_276 = arith.constant 3 : i32
    %dma_wait3A_277 = arith.constant 384 : i32
    %dma_wait3A_278 = arith.constant 0 : i32
    %dma_wait3A_279 = tpu.memref_slice %arg11[%dma_wait3A_277, %dma_wait3A_278] : memref<512x32xf32, #tpu.memory_space<vmem>> -> memref<128x32xf32, #tpu.memory_space<vmem>>
    %dma_wait3A_280 = arith.constant 0 : i32
    %dma_wait3A_281 = tpu.memref_slice %arg9[%dma_wait3A_276, %dma_wait3A_280] : memref<4x128xi32, #tpu.memory_space<vmem>> -> memref<1x128xi32, #tpu.memory_space<vmem>>
    %dma_wait3A_282 = tpu.memref_squeeze %dma_wait3A_281 : memref<1x128xi32, #tpu.memory_space<vmem>> -> memref<128xi32, #tpu.memory_space<vmem>>
    %dma_wait3A_283 = arith.constant 0 : i32
    %dma_wait3A_284 = arith.constant 0 : i32
    %dma_wait3A_285 = tpu.memref_slice %arg4[%dma_wait3A_283, %dma_wait3A_284] : memref<1000001x32xf32, #tpu.memory_space<hbm>> -> memref<1000001x32xf32, #tpu.memory_space<hbm>>
    tpu.wait_indirect_dma semaphore(%arg17 : memref<!tpu.dma_semaphore, #tpu.memory_space<semaphore_mem>>) src(%dma_wait3A_285 : memref<1000001x32xf32, #tpu.memory_space<hbm>>) dst(%dma_wait3A_279 : memref<128x32xf32, #tpu.memory_space<vmem>>)
    %dma_wait3A_286 = arith.constant 3 : i32
    %dma_wait3A_287 = arith.constant 384 : i32
    %dma_wait3A_288 = arith.constant 0 : i32
    %dma_wait3A_289 = tpu.memref_slice %arg12[%dma_wait3A_287, %dma_wait3A_288] : memref<512x32xf32, #tpu.memory_space<vmem>> -> memref<128x32xf32, #tpu.memory_space<vmem>>
    %dma_wait3A_290 = arith.constant 0 : i32
    %dma_wait3A_291 = tpu.memref_slice %arg10[%dma_wait3A_286, %dma_wait3A_290] : memref<4x128xi32, #tpu.memory_space<vmem>> -> memref<1x128xi32, #tpu.memory_space<vmem>>
    %dma_wait3A_292 = tpu.memref_squeeze %dma_wait3A_291 : memref<1x128xi32, #tpu.memory_space<vmem>> -> memref<128xi32, #tpu.memory_space<vmem>>
    %dma_wait3A_293 = arith.constant 0 : i32
    %dma_wait3A_294 = arith.constant 0 : i32
    %dma_wait3A_295 = tpu.memref_slice %arg6[%dma_wait3A_293, %dma_wait3A_294] : memref<1000001x32xf32, #tpu.memory_space<hbm>> -> memref<1000001x32xf32, #tpu.memory_space<hbm>>
    tpu.wait_indirect_dma semaphore(%arg17 : memref<!tpu.dma_semaphore, #tpu.memory_space<semaphore_mem>>) src(%dma_wait3A_295 : memref<1000001x32xf32, #tpu.memory_space<hbm>>) dst(%dma_wait3A_289 : memref<128x32xf32, #tpu.memory_space<vmem>>)
    %dma_wait3A_296 = arith.constant 3 : i32
    %dma_wait3A_297 = arith.constant 384 : i32
    %dma_wait3A_298 = tpu.memref_slice %arg13[%dma_wait3A_297] : memref<512xf32, #tpu.memory_space<vmem>> -> memref<128xf32, #tpu.memory_space<vmem>>
    %dma_wait3A_299 = arith.constant 0 : i32
    %dma_wait3A_300 = tpu.memref_slice %arg9[%dma_wait3A_296, %dma_wait3A_299] : memref<4x128xi32, #tpu.memory_space<vmem>> -> memref<1x128xi32, #tpu.memory_space<vmem>>
    %dma_wait3A_301 = tpu.memref_squeeze %dma_wait3A_300 : memref<1x128xi32, #tpu.memory_space<vmem>> -> memref<128xi32, #tpu.memory_space<vmem>>
    %dma_wait3A_302 = arith.constant 0 : i32
    %dma_wait3A_303 = tpu.memref_slice %arg5[%dma_wait3A_302] : memref<1000001xf32, #tpu.memory_space<hbm>> -> memref<1000001xf32, #tpu.memory_space<hbm>>
    tpu.wait_indirect_dma semaphore(%arg17 : memref<!tpu.dma_semaphore, #tpu.memory_space<semaphore_mem>>) src(%dma_wait3A_303 : memref<1000001xf32, #tpu.memory_space<hbm>>) dst(%dma_wait3A_298 : memref<128xf32, #tpu.memory_space<vmem>>)
    %dma_wait3A_304 = arith.constant 3 : i32
    %dma_wait3A_305 = arith.constant 384 : i32
    %dma_wait3A_306 = tpu.memref_slice %arg14[%dma_wait3A_305] : memref<512xf32, #tpu.memory_space<vmem>> -> memref<128xf32, #tpu.memory_space<vmem>>
    %dma_wait3A_307 = arith.constant 0 : i32
    %dma_wait3A_308 = tpu.memref_slice %arg10[%dma_wait3A_304, %dma_wait3A_307] : memref<4x128xi32, #tpu.memory_space<vmem>> -> memref<1x128xi32, #tpu.memory_space<vmem>>
    %dma_wait3A_309 = tpu.memref_squeeze %dma_wait3A_308 : memref<1x128xi32, #tpu.memory_space<vmem>> -> memref<128xi32, #tpu.memory_space<vmem>>
    %dma_wait3A_310 = arith.constant 0 : i32
    %dma_wait3A_311 = tpu.memref_slice %arg7[%dma_wait3A_310] : memref<1000001xf32, #tpu.memory_space<hbm>> -> memref<1000001xf32, #tpu.memory_space<hbm>>
    tpu.wait_indirect_dma semaphore(%arg17 : memref<!tpu.dma_semaphore, #tpu.memory_space<semaphore_mem>>) src(%dma_wait3A_311 : memref<1000001xf32, #tpu.memory_space<hbm>>) dst(%dma_wait3A_306 : memref<128xf32, #tpu.memory_space<vmem>>)
    %iota3A = tpu.iota {dimensions = array<i32: 0>} : vector<16xi32>
    %scan3A = arith.constant 0 : i32
    %scan3A_312 = arith.constant 0 : i32
    %scan3A_313 = arith.constant 32 : i32
    %scan3A_314 = arith.addi %scan3A_312, %scan3A_313 : i32
    %scan3A_315 = arith.constant 1 : i32
    scf.for %scan3A_317 = %scan3A_312 to %scan3A_314 step %scan3A_315  : i32 {
      %mul3A_318 = arith.constant 16 : i32
      %mul3A_319 = arith.muli %scan3A_317, %mul3A_318 : i32
      %multiple_of3A = tpu.assume_multiple %mul3A_319, 16 : i32
      %add3A_320 = arith.constant 0 : i32
      %add3A_321 = arith.addi %multiple_of3A, %add3A_320 : i32
      %get3A = arith.index_cast %add3A_321 : i32 to index
      %get3A_322 = arith.constant 0 : index
      %get3A_323 = tpu.vector_load %arg11[%get3A, %get3A_322] {strides = array<i32>} : memref<512x32xf32, #tpu.memory_space<vmem>>, vector<16xf32>,
      %get3A_324 = arith.index_cast %add3A_321 : i32 to index
      %get3A_325 = arith.constant 16 : index
      %get3A_326 = tpu.vector_load %arg11[%get3A_324, %get3A_325] {strides = array<i32>} : memref<512x32xf32, #tpu.memory_space<vmem>>, vector<16xf32>,
      %get3A_327 = arith.index_cast %add3A_321 : i32 to index
      %get3A_328 = arith.constant 0 : index
      %get3A_329 = tpu.vector_load %arg12[%get3A_327, %get3A_328] {strides = array<i32>} : memref<512x32xf32, #tpu.memory_space<vmem>>, vector<16xf32>,
      %get3A_330 = arith.index_cast %add3A_321 : i32 to index
      %get3A_331 = arith.constant 16 : index
      %get3A_332 = tpu.vector_load %arg12[%get3A_330, %get3A_331] {strides = array<i32>} : memref<512x32xf32, #tpu.memory_space<vmem>>, vector<16xf32>,
      %mul3A_333 = arith.mulf %get3A_323, %get3A_329 : vector<16xf32>
      %mul3A_334 = arith.mulf %get3A_326, %get3A_332 : vector<16xf32>
      %add3A_335 = arith.addf %mul3A_333, %mul3A_334 : vector<16xf32>
      %broadcast_in_dim3A = arith.constant 0 : i32
      %broadcast_in_dim3A_336 = vector.broadcast %broadcast_in_dim3A : i32 to vector<16xi32>
      tpu.vector_store_idx %arg15[%iota3A, %broadcast_in_dim3A_336], %add3A_335 : memref<16x16xf32, #tpu.memory_space<vmem>>[vector<16xi32>, vector<16xi32>], vector<16xf32>,
      %add3A_337 = arith.constant 1 : i32
      %add3A_338 = arith.addi %multiple_of3A, %add3A_337 : i32
      %get3A_339 = arith.index_cast %add3A_338 : i32 to index
      %get3A_340 = arith.constant 0 : index
      %get3A_341 = tpu.vector_load %arg11[%get3A_339, %get3A_340] {strides = array<i32>} : memref<512x32xf32, #tpu.memory_space<vmem>>, vector<16xf32>,
      %get3A_342 = arith.index_cast %add3A_338 : i32 to index
      %get3A_343 = arith.constant 16 : index
      %get3A_344 = tpu.vector_load %arg11[%get3A_342, %get3A_343] {strides = array<i32>} : memref<512x32xf32, #tpu.memory_space<vmem>>, vector<16xf32>,
      %get3A_345 = arith.index_cast %add3A_338 : i32 to index
      %get3A_346 = arith.constant 0 : index
      %get3A_347 = tpu.vector_load %arg12[%get3A_345, %get3A_346] {strides = array<i32>} : memref<512x32xf32, #tpu.memory_space<vmem>>, vector<16xf32>,
      %get3A_348 = arith.index_cast %add3A_338 : i32 to index
      %get3A_349 = arith.constant 16 : index
      %get3A_350 = tpu.vector_load %arg12[%get3A_348, %get3A_349] {strides = array<i32>} : memref<512x32xf32, #tpu.memory_space<vmem>>, vector<16xf32>,
      %mul3A_351 = arith.mulf %get3A_341, %get3A_347 : vector<16xf32>
      %mul3A_352 = arith.mulf %get3A_344, %get3A_350 : vector<16xf32>
      %add3A_353 = arith.addf %mul3A_351, %mul3A_352 : vector<16xf32>
      %broadcast_in_dim3A_354 = arith.constant 1 : i32
      %broadcast_in_dim3A_355 = vector.broadcast %broadcast_in_dim3A_354 : i32 to vector<16xi32>
      tpu.vector_store_idx %arg15[%iota3A, %broadcast_in_dim3A_355], %add3A_353 : memref<16x16xf32, #tpu.memory_space<vmem>>[vector<16xi32>, vector<16xi32>], vector<16xf32>,
      %add3A_356 = arith.constant 2 : i32
      %add3A_357 = arith.addi %multiple_of3A, %add3A_356 : i32
      %get3A_358 = arith.index_cast %add3A_357 : i32 to index
      %get3A_359 = arith.constant 0 : index
      %get3A_360 = tpu.vector_load %arg11[%get3A_358, %get3A_359] {strides = array<i32>} : memref<512x32xf32, #tpu.memory_space<vmem>>, vector<16xf32>,
      %get3A_361 = arith.index_cast %add3A_357 : i32 to index
      %get3A_362 = arith.constant 16 : index
      %get3A_363 = tpu.vector_load %arg11[%get3A_361, %get3A_362] {strides = array<i32>} : memref<512x32xf32, #tpu.memory_space<vmem>>, vector<16xf32>,
      %get3A_364 = arith.index_cast %add3A_357 : i32 to index
      %get3A_365 = arith.constant 0 : index
      %get3A_366 = tpu.vector_load %arg12[%get3A_364, %get3A_365] {strides = array<i32>} : memref<512x32xf32, #tpu.memory_space<vmem>>, vector<16xf32>,
      %get3A_367 = arith.index_cast %add3A_357 : i32 to index
      %get3A_368 = arith.constant 16 : index
      %get3A_369 = tpu.vector_load %arg12[%get3A_367, %get3A_368] {strides = array<i32>} : memref<512x32xf32, #tpu.memory_space<vmem>>, vector<16xf32>,
      %mul3A_370 = arith.mulf %get3A_360, %get3A_366 : vector<16xf32>
      %mul3A_371 = arith.mulf %get3A_363, %get3A_369 : vector<16xf32>
      %add3A_372 = arith.addf %mul3A_370, %mul3A_371 : vector<16xf32>
      %broadcast_in_dim3A_373 = arith.constant 2 : i32
      %broadcast_in_dim3A_374 = vector.broadcast %broadcast_in_dim3A_373 : i32 to vector<16xi32>
      tpu.vector_store_idx %arg15[%iota3A, %broadcast_in_dim3A_374], %add3A_372 : memref<16x16xf32, #tpu.memory_space<vmem>>[vector<16xi32>, vector<16xi32>], vector<16xf32>,
      %add3A_375 = arith.constant 3 : i32
      %add3A_376 = arith.addi %multiple_of3A, %add3A_375 : i32
      %get3A_377 = arith.index_cast %add3A_376 : i32 to index
      %get3A_378 = arith.constant 0 : index
      %get3A_379 = tpu.vector_load %arg11[%get3A_377, %get3A_378] {strides = array<i32>} : memref<512x32xf32, #tpu.memory_space<vmem>>, vector<16xf32>,
      %get3A_380 = arith.index_cast %add3A_376 : i32 to index
      %get3A_381 = arith.constant 16 : index
      %get3A_382 = tpu.vector_load %arg11[%get3A_380, %get3A_381] {strides = array<i32>} : memref<512x32xf32, #tpu.memory_space<vmem>>, vector<16xf32>,
      %get3A_383 = arith.index_cast %add3A_376 : i32 to index
      %get3A_384 = arith.constant 0 : index
      %get3A_385 = tpu.vector_load %arg12[%get3A_383, %get3A_384] {strides = array<i32>} : memref<512x32xf32, #tpu.memory_space<vmem>>, vector<16xf32>,
      %get3A_386 = arith.index_cast %add3A_376 : i32 to index
      %get3A_387 = arith.constant 16 : index
      %get3A_388 = tpu.vector_load %arg12[%get3A_386, %get3A_387] {strides = array<i32>} : memref<512x32xf32, #tpu.memory_space<vmem>>, vector<16xf32>,
      %mul3A_389 = arith.mulf %get3A_379, %get3A_385 : vector<16xf32>
      %mul3A_390 = arith.mulf %get3A_382, %get3A_388 : vector<16xf32>
      %add3A_391 = arith.addf %mul3A_389, %mul3A_390 : vector<16xf32>
      %broadcast_in_dim3A_392 = arith.constant 3 : i32
      %broadcast_in_dim3A_393 = vector.broadcast %broadcast_in_dim3A_392 : i32 to vector<16xi32>
      tpu.vector_store_idx %arg15[%iota3A, %broadcast_in_dim3A_393], %add3A_391 : memref<16x16xf32, #tpu.memory_space<vmem>>[vector<16xi32>, vector<16xi32>], vector<16xf32>,
      %add3A_394 = arith.constant 4 : i32
      %add3A_395 = arith.addi %multiple_of3A, %add3A_394 : i32
      %get3A_396 = arith.index_cast %add3A_395 : i32 to index
      %get3A_397 = arith.constant 0 : index
      %get3A_398 = tpu.vector_load %arg11[%get3A_396, %get3A_397] {strides = array<i32>} : memref<512x32xf32, #tpu.memory_space<vmem>>, vector<16xf32>,
      %get3A_399 = arith.index_cast %add3A_395 : i32 to index
      %get3A_400 = arith.constant 16 : index
      %get3A_401 = tpu.vector_load %arg11[%get3A_399, %get3A_400] {strides = array<i32>} : memref<512x32xf32, #tpu.memory_space<vmem>>, vector<16xf32>,
      %get3A_402 = arith.index_cast %add3A_395 : i32 to index
      %get3A_403 = arith.constant 0 : index
      %get3A_404 = tpu.vector_load %arg12[%get3A_402, %get3A_403] {strides = array<i32>} : memref<512x32xf32, #tpu.memory_space<vmem>>, vector<16xf32>,
      %get3A_405 = arith.index_cast %add3A_395 : i32 to index
      %get3A_406 = arith.constant 16 : index
      %get3A_407 = tpu.vector_load %arg12[%get3A_405, %get3A_406] {strides = array<i32>} : memref<512x32xf32, #tpu.memory_space<vmem>>, vector<16xf32>,
      %mul3A_408 = arith.mulf %get3A_398, %get3A_404 : vector<16xf32>
      %mul3A_409 = arith.mulf %get3A_401, %get3A_407 : vector<16xf32>
      %add3A_410 = arith.addf %mul3A_408, %mul3A_409 : vector<16xf32>
      %broadcast_in_dim3A_411 = arith.constant 4 : i32
      %broadcast_in_dim3A_412 = vector.broadcast %broadcast_in_dim3A_411 : i32 to vector<16xi32>
      tpu.vector_store_idx %arg15[%iota3A, %broadcast_in_dim3A_412], %add3A_410 : memref<16x16xf32, #tpu.memory_space<vmem>>[vector<16xi32>, vector<16xi32>], vector<16xf32>,
      %add3A_413 = arith.constant 5 : i32
      %add3A_414 = arith.addi %multiple_of3A, %add3A_413 : i32
      %get3A_415 = arith.index_cast %add3A_414 : i32 to index
      %get3A_416 = arith.constant 0 : index
      %get3A_417 = tpu.vector_load %arg11[%get3A_415, %get3A_416] {strides = array<i32>} : memref<512x32xf32, #tpu.memory_space<vmem>>, vector<16xf32>,
      %get3A_418 = arith.index_cast %add3A_414 : i32 to index
      %get3A_419 = arith.constant 16 : index
      %get3A_420 = tpu.vector_load %arg11[%get3A_418, %get3A_419] {strides = array<i32>} : memref<512x32xf32, #tpu.memory_space<vmem>>, vector<16xf32>,
      %get3A_421 = arith.index_cast %add3A_414 : i32 to index
      %get3A_422 = arith.constant 0 : index
      %get3A_423 = tpu.vector_load %arg12[%get3A_421, %get3A_422] {strides = array<i32>} : memref<512x32xf32, #tpu.memory_space<vmem>>, vector<16xf32>,
      %get3A_424 = arith.index_cast %add3A_414 : i32 to index
      %get3A_425 = arith.constant 16 : index
      %get3A_426 = tpu.vector_load %arg12[%get3A_424, %get3A_425] {strides = array<i32>} : memref<512x32xf32, #tpu.memory_space<vmem>>, vector<16xf32>,
      %mul3A_427 = arith.mulf %get3A_417, %get3A_423 : vector<16xf32>
      %mul3A_428 = arith.mulf %get3A_420, %get3A_426 : vector<16xf32>
      %add3A_429 = arith.addf %mul3A_427, %mul3A_428 : vector<16xf32>
      %broadcast_in_dim3A_430 = arith.constant 5 : i32
      %broadcast_in_dim3A_431 = vector.broadcast %broadcast_in_dim3A_430 : i32 to vector<16xi32>
      tpu.vector_store_idx %arg15[%iota3A, %broadcast_in_dim3A_431], %add3A_429 : memref<16x16xf32, #tpu.memory_space<vmem>>[vector<16xi32>, vector<16xi32>], vector<16xf32>,
      %add3A_432 = arith.constant 6 : i32
      %add3A_433 = arith.addi %multiple_of3A, %add3A_432 : i32
      %get3A_434 = arith.index_cast %add3A_433 : i32 to index
      %get3A_435 = arith.constant 0 : index
      %get3A_436 = tpu.vector_load %arg11[%get3A_434, %get3A_435] {strides = array<i32>} : memref<512x32xf32, #tpu.memory_space<vmem>>, vector<16xf32>,
      %get3A_437 = arith.index_cast %add3A_433 : i32 to index
      %get3A_438 = arith.constant 16 : index
      %get3A_439 = tpu.vector_load %arg11[%get3A_437, %get3A_438] {strides = array<i32>} : memref<512x32xf32, #tpu.memory_space<vmem>>, vector<16xf32>,
      %get3A_440 = arith.index_cast %add3A_433 : i32 to index
      %get3A_441 = arith.constant 0 : index
      %get3A_442 = tpu.vector_load %arg12[%get3A_440, %get3A_441] {strides = array<i32>} : memref<512x32xf32, #tpu.memory_space<vmem>>, vector<16xf32>,
      %get3A_443 = arith.index_cast %add3A_433 : i32 to index
      %get3A_444 = arith.constant 16 : index
      %get3A_445 = tpu.vector_load %arg12[%get3A_443, %get3A_444] {strides = array<i32>} : memref<512x32xf32, #tpu.memory_space<vmem>>, vector<16xf32>,
      %mul3A_446 = arith.mulf %get3A_436, %get3A_442 : vector<16xf32>
      %mul3A_447 = arith.mulf %get3A_439, %get3A_445 : vector<16xf32>
      %add3A_448 = arith.addf %mul3A_446, %mul3A_447 : vector<16xf32>
      %broadcast_in_dim3A_449 = arith.constant 6 : i32
      %broadcast_in_dim3A_450 = vector.broadcast %broadcast_in_dim3A_449 : i32 to vector<16xi32>
      tpu.vector_store_idx %arg15[%iota3A, %broadcast_in_dim3A_450], %add3A_448 : memref<16x16xf32, #tpu.memory_space<vmem>>[vector<16xi32>, vector<16xi32>], vector<16xf32>,
      %add3A_451 = arith.constant 7 : i32
      %add3A_452 = arith.addi %multiple_of3A, %add3A_451 : i32
      %get3A_453 = arith.index_cast %add3A_452 : i32 to index
      %get3A_454 = arith.constant 0 : index
      %get3A_455 = tpu.vector_load %arg11[%get3A_453, %get3A_454] {strides = array<i32>} : memref<512x32xf32, #tpu.memory_space<vmem>>, vector<16xf32>,
      %get3A_456 = arith.index_cast %add3A_452 : i32 to index
      %get3A_457 = arith.constant 16 : index
      %get3A_458 = tpu.vector_load %arg11[%get3A_456, %get3A_457] {strides = array<i32>} : memref<512x32xf32, #tpu.memory_space<vmem>>, vector<16xf32>,
      %get3A_459 = arith.index_cast %add3A_452 : i32 to index
      %get3A_460 = arith.constant 0 : index
      %get3A_461 = tpu.vector_load %arg12[%get3A_459, %get3A_460] {strides = array<i32>} : memref<512x32xf32, #tpu.memory_space<vmem>>, vector<16xf32>,
      %get3A_462 = arith.index_cast %add3A_452 : i32 to index
      %get3A_463 = arith.constant 16 : index
      %get3A_464 = tpu.vector_load %arg12[%get3A_462, %get3A_463] {strides = array<i32>} : memref<512x32xf32, #tpu.memory_space<vmem>>, vector<16xf32>,
      %mul3A_465 = arith.mulf %get3A_455, %get3A_461 : vector<16xf32>
      %mul3A_466 = arith.mulf %get3A_458, %get3A_464 : vector<16xf32>
      %add3A_467 = arith.addf %mul3A_465, %mul3A_466 : vector<16xf32>
      %broadcast_in_dim3A_468 = arith.constant 7 : i32
      %broadcast_in_dim3A_469 = vector.broadcast %broadcast_in_dim3A_468 : i32 to vector<16xi32>
      tpu.vector_store_idx %arg15[%iota3A, %broadcast_in_dim3A_469], %add3A_467 : memref<16x16xf32, #tpu.memory_space<vmem>>[vector<16xi32>, vector<16xi32>], vector<16xf32>,
      %add3A_470 = arith.constant 8 : i32
      %add3A_471 = arith.addi %multiple_of3A, %add3A_470 : i32
      %get3A_472 = arith.index_cast %add3A_471 : i32 to index
      %get3A_473 = arith.constant 0 : index
      %get3A_474 = tpu.vector_load %arg11[%get3A_472, %get3A_473] {strides = array<i32>} : memref<512x32xf32, #tpu.memory_space<vmem>>, vector<16xf32>,
      %get3A_475 = arith.index_cast %add3A_471 : i32 to index
      %get3A_476 = arith.constant 16 : index
      %get3A_477 = tpu.vector_load %arg11[%get3A_475, %get3A_476] {strides = array<i32>} : memref<512x32xf32, #tpu.memory_space<vmem>>, vector<16xf32>,
      %get3A_478 = arith.index_cast %add3A_471 : i32 to index
      %get3A_479 = arith.constant 0 : index
      %get3A_480 = tpu.vector_load %arg12[%get3A_478, %get3A_479] {strides = array<i32>} : memref<512x32xf32, #tpu.memory_space<vmem>>, vector<16xf32>,
      %get3A_481 = arith.index_cast %add3A_471 : i32 to index
      %get3A_482 = arith.constant 16 : index
      %get3A_483 = tpu.vector_load %arg12[%get3A_481, %get3A_482] {strides = array<i32>} : memref<512x32xf32, #tpu.memory_space<vmem>>, vector<16xf32>,
      %mul3A_484 = arith.mulf %get3A_474, %get3A_480 : vector<16xf32>
      %mul3A_485 = arith.mulf %get3A_477, %get3A_483 : vector<16xf32>
      %add3A_486 = arith.addf %mul3A_484, %mul3A_485 : vector<16xf32>
      %broadcast_in_dim3A_487 = arith.constant 8 : i32
      %broadcast_in_dim3A_488 = vector.broadcast %broadcast_in_dim3A_487 : i32 to vector<16xi32>
      tpu.vector_store_idx %arg15[%iota3A, %broadcast_in_dim3A_488], %add3A_486 : memref<16x16xf32, #tpu.memory_space<vmem>>[vector<16xi32>, vector<16xi32>], vector<16xf32>,
      %add3A_489 = arith.constant 9 : i32
      %add3A_490 = arith.addi %multiple_of3A, %add3A_489 : i32
      %get3A_491 = arith.index_cast %add3A_490 : i32 to index
      %get3A_492 = arith.constant 0 : index
      %get3A_493 = tpu.vector_load %arg11[%get3A_491, %get3A_492] {strides = array<i32>} : memref<512x32xf32, #tpu.memory_space<vmem>>, vector<16xf32>,
      %get3A_494 = arith.index_cast %add3A_490 : i32 to index
      %get3A_495 = arith.constant 16 : index
      %get3A_496 = tpu.vector_load %arg11[%get3A_494, %get3A_495] {strides = array<i32>} : memref<512x32xf32, #tpu.memory_space<vmem>>, vector<16xf32>,
      %get3A_497 = arith.index_cast %add3A_490 : i32 to index
      %get3A_498 = arith.constant 0 : index
      %get3A_499 = tpu.vector_load %arg12[%get3A_497, %get3A_498] {strides = array<i32>} : memref<512x32xf32, #tpu.memory_space<vmem>>, vector<16xf32>,
      %get3A_500 = arith.index_cast %add3A_490 : i32 to index
      %get3A_501 = arith.constant 16 : index
      %get3A_502 = tpu.vector_load %arg12[%get3A_500, %get3A_501] {strides = array<i32>} : memref<512x32xf32, #tpu.memory_space<vmem>>, vector<16xf32>,
      %mul3A_503 = arith.mulf %get3A_493, %get3A_499 : vector<16xf32>
      %mul3A_504 = arith.mulf %get3A_496, %get3A_502 : vector<16xf32>
      %add3A_505 = arith.addf %mul3A_503, %mul3A_504 : vector<16xf32>
      %broadcast_in_dim3A_506 = arith.constant 9 : i32
      %broadcast_in_dim3A_507 = vector.broadcast %broadcast_in_dim3A_506 : i32 to vector<16xi32>
      tpu.vector_store_idx %arg15[%iota3A, %broadcast_in_dim3A_507], %add3A_505 : memref<16x16xf32, #tpu.memory_space<vmem>>[vector<16xi32>, vector<16xi32>], vector<16xf32>,
      %add3A_508 = arith.constant 10 : i32
      %add3A_509 = arith.addi %multiple_of3A, %add3A_508 : i32
      %get3A_510 = arith.index_cast %add3A_509 : i32 to index
      %get3A_511 = arith.constant 0 : index
      %get3A_512 = tpu.vector_load %arg11[%get3A_510, %get3A_511] {strides = array<i32>} : memref<512x32xf32, #tpu.memory_space<vmem>>, vector<16xf32>,
      %get3A_513 = arith.index_cast %add3A_509 : i32 to index
      %get3A_514 = arith.constant 16 : index
      %get3A_515 = tpu.vector_load %arg11[%get3A_513, %get3A_514] {strides = array<i32>} : memref<512x32xf32, #tpu.memory_space<vmem>>, vector<16xf32>,
      %get3A_516 = arith.index_cast %add3A_509 : i32 to index
      %get3A_517 = arith.constant 0 : index
      %get3A_518 = tpu.vector_load %arg12[%get3A_516, %get3A_517] {strides = array<i32>} : memref<512x32xf32, #tpu.memory_space<vmem>>, vector<16xf32>,
      %get3A_519 = arith.index_cast %add3A_509 : i32 to index
      %get3A_520 = arith.constant 16 : index
      %get3A_521 = tpu.vector_load %arg12[%get3A_519, %get3A_520] {strides = array<i32>} : memref<512x32xf32, #tpu.memory_space<vmem>>, vector<16xf32>,
      %mul3A_522 = arith.mulf %get3A_512, %get3A_518 : vector<16xf32>
      %mul3A_523 = arith.mulf %get3A_515, %get3A_521 : vector<16xf32>
      %add3A_524 = arith.addf %mul3A_522, %mul3A_523 : vector<16xf32>
      %broadcast_in_dim3A_525 = arith.constant 10 : i32
      %broadcast_in_dim3A_526 = vector.broadcast %broadcast_in_dim3A_525 : i32 to vector<16xi32>
      tpu.vector_store_idx %arg15[%iota3A, %broadcast_in_dim3A_526], %add3A_524 : memref<16x16xf32, #tpu.memory_space<vmem>>[vector<16xi32>, vector<16xi32>], vector<16xf32>,
      %add3A_527 = arith.constant 11 : i32
      %add3A_528 = arith.addi %multiple_of3A, %add3A_527 : i32
      %get3A_529 = arith.index_cast %add3A_528 : i32 to index
      %get3A_530 = arith.constant 0 : index
      %get3A_531 = tpu.vector_load %arg11[%get3A_529, %get3A_530] {strides = array<i32>} : memref<512x32xf32, #tpu.memory_space<vmem>>, vector<16xf32>,
      %get3A_532 = arith.index_cast %add3A_528 : i32 to index
      %get3A_533 = arith.constant 16 : index
      %get3A_534 = tpu.vector_load %arg11[%get3A_532, %get3A_533] {strides = array<i32>} : memref<512x32xf32, #tpu.memory_space<vmem>>, vector<16xf32>,
      %get3A_535 = arith.index_cast %add3A_528 : i32 to index
      %get3A_536 = arith.constant 0 : index
      %get3A_537 = tpu.vector_load %arg12[%get3A_535, %get3A_536] {strides = array<i32>} : memref<512x32xf32, #tpu.memory_space<vmem>>, vector<16xf32>,
      %get3A_538 = arith.index_cast %add3A_528 : i32 to index
      %get3A_539 = arith.constant 16 : index
      %get3A_540 = tpu.vector_load %arg12[%get3A_538, %get3A_539] {strides = array<i32>} : memref<512x32xf32, #tpu.memory_space<vmem>>, vector<16xf32>,
      %mul3A_541 = arith.mulf %get3A_531, %get3A_537 : vector<16xf32>
      %mul3A_542 = arith.mulf %get3A_534, %get3A_540 : vector<16xf32>
      %add3A_543 = arith.addf %mul3A_541, %mul3A_542 : vector<16xf32>
      %broadcast_in_dim3A_544 = arith.constant 11 : i32
      %broadcast_in_dim3A_545 = vector.broadcast %broadcast_in_dim3A_544 : i32 to vector<16xi32>
      tpu.vector_store_idx %arg15[%iota3A, %broadcast_in_dim3A_545], %add3A_543 : memref<16x16xf32, #tpu.memory_space<vmem>>[vector<16xi32>, vector<16xi32>], vector<16xf32>,
      %add3A_546 = arith.constant 12 : i32
      %add3A_547 = arith.addi %multiple_of3A, %add3A_546 : i32
      %get3A_548 = arith.index_cast %add3A_547 : i32 to index
      %get3A_549 = arith.constant 0 : index
      %get3A_550 = tpu.vector_load %arg11[%get3A_548, %get3A_549] {strides = array<i32>} : memref<512x32xf32, #tpu.memory_space<vmem>>, vector<16xf32>,
      %get3A_551 = arith.index_cast %add3A_547 : i32 to index
      %get3A_552 = arith.constant 16 : index
      %get3A_553 = tpu.vector_load %arg11[%get3A_551, %get3A_552] {strides = array<i32>} : memref<512x32xf32, #tpu.memory_space<vmem>>, vector<16xf32>,
      %get3A_554 = arith.index_cast %add3A_547 : i32 to index
      %get3A_555 = arith.constant 0 : index
      %get3A_556 = tpu.vector_load %arg12[%get3A_554, %get3A_555] {strides = array<i32>} : memref<512x32xf32, #tpu.memory_space<vmem>>, vector<16xf32>,
      %get3A_557 = arith.index_cast %add3A_547 : i32 to index
      %get3A_558 = arith.constant 16 : index
      %get3A_559 = tpu.vector_load %arg12[%get3A_557, %get3A_558] {strides = array<i32>} : memref<512x32xf32, #tpu.memory_space<vmem>>, vector<16xf32>,
      %mul3A_560 = arith.mulf %get3A_550, %get3A_556 : vector<16xf32>
      %mul3A_561 = arith.mulf %get3A_553, %get3A_559 : vector<16xf32>
      %add3A_562 = arith.addf %mul3A_560, %mul3A_561 : vector<16xf32>
      %broadcast_in_dim3A_563 = arith.constant 12 : i32
      %broadcast_in_dim3A_564 = vector.broadcast %broadcast_in_dim3A_563 : i32 to vector<16xi32>
      tpu.vector_store_idx %arg15[%iota3A, %broadcast_in_dim3A_564], %add3A_562 : memref<16x16xf32, #tpu.memory_space<vmem>>[vector<16xi32>, vector<16xi32>], vector<16xf32>,
      %add3A_565 = arith.constant 13 : i32
      %add3A_566 = arith.addi %multiple_of3A, %add3A_565 : i32
      %get3A_567 = arith.index_cast %add3A_566 : i32 to index
      %get3A_568 = arith.constant 0 : index
      %get3A_569 = tpu.vector_load %arg11[%get3A_567, %get3A_568] {strides = array<i32>} : memref<512x32xf32, #tpu.memory_space<vmem>>, vector<16xf32>,
      %get3A_570 = arith.index_cast %add3A_566 : i32 to index
      %get3A_571 = arith.constant 16 : index
      %get3A_572 = tpu.vector_load %arg11[%get3A_570, %get3A_571] {strides = array<i32>} : memref<512x32xf32, #tpu.memory_space<vmem>>, vector<16xf32>,
      %get3A_573 = arith.index_cast %add3A_566 : i32 to index
      %get3A_574 = arith.constant 0 : index
      %get3A_575 = tpu.vector_load %arg12[%get3A_573, %get3A_574] {strides = array<i32>} : memref<512x32xf32, #tpu.memory_space<vmem>>, vector<16xf32>,
      %get3A_576 = arith.index_cast %add3A_566 : i32 to index
      %get3A_577 = arith.constant 16 : index
      %get3A_578 = tpu.vector_load %arg12[%get3A_576, %get3A_577] {strides = array<i32>} : memref<512x32xf32, #tpu.memory_space<vmem>>, vector<16xf32>,
      %mul3A_579 = arith.mulf %get3A_569, %get3A_575 : vector<16xf32>
      %mul3A_580 = arith.mulf %get3A_572, %get3A_578 : vector<16xf32>
      %add3A_581 = arith.addf %mul3A_579, %mul3A_580 : vector<16xf32>
      %broadcast_in_dim3A_582 = arith.constant 13 : i32
      %broadcast_in_dim3A_583 = vector.broadcast %broadcast_in_dim3A_582 : i32 to vector<16xi32>
      tpu.vector_store_idx %arg15[%iota3A, %broadcast_in_dim3A_583], %add3A_581 : memref<16x16xf32, #tpu.memory_space<vmem>>[vector<16xi32>, vector<16xi32>], vector<16xf32>,
      %add3A_584 = arith.constant 14 : i32
      %add3A_585 = arith.addi %multiple_of3A, %add3A_584 : i32
      %get3A_586 = arith.index_cast %add3A_585 : i32 to index
      %get3A_587 = arith.constant 0 : index
      %get3A_588 = tpu.vector_load %arg11[%get3A_586, %get3A_587] {strides = array<i32>} : memref<512x32xf32, #tpu.memory_space<vmem>>, vector<16xf32>,
      %get3A_589 = arith.index_cast %add3A_585 : i32 to index
      %get3A_590 = arith.constant 16 : index
      %get3A_591 = tpu.vector_load %arg11[%get3A_589, %get3A_590] {strides = array<i32>} : memref<512x32xf32, #tpu.memory_space<vmem>>, vector<16xf32>,
      %get3A_592 = arith.index_cast %add3A_585 : i32 to index
      %get3A_593 = arith.constant 0 : index
      %get3A_594 = tpu.vector_load %arg12[%get3A_592, %get3A_593] {strides = array<i32>} : memref<512x32xf32, #tpu.memory_space<vmem>>, vector<16xf32>,
      %get3A_595 = arith.index_cast %add3A_585 : i32 to index
      %get3A_596 = arith.constant 16 : index
      %get3A_597 = tpu.vector_load %arg12[%get3A_595, %get3A_596] {strides = array<i32>} : memref<512x32xf32, #tpu.memory_space<vmem>>, vector<16xf32>,
      %mul3A_598 = arith.mulf %get3A_588, %get3A_594 : vector<16xf32>
      %mul3A_599 = arith.mulf %get3A_591, %get3A_597 : vector<16xf32>
      %add3A_600 = arith.addf %mul3A_598, %mul3A_599 : vector<16xf32>
      %broadcast_in_dim3A_601 = arith.constant 14 : i32
      %broadcast_in_dim3A_602 = vector.broadcast %broadcast_in_dim3A_601 : i32 to vector<16xi32>
      tpu.vector_store_idx %arg15[%iota3A, %broadcast_in_dim3A_602], %add3A_600 : memref<16x16xf32, #tpu.memory_space<vmem>>[vector<16xi32>, vector<16xi32>], vector<16xf32>,
      %add3A_603 = arith.constant 15 : i32
      %add3A_604 = arith.addi %multiple_of3A, %add3A_603 : i32
      %get3A_605 = arith.index_cast %add3A_604 : i32 to index
      %get3A_606 = arith.constant 0 : index
      %get3A_607 = tpu.vector_load %arg11[%get3A_605, %get3A_606] {strides = array<i32>} : memref<512x32xf32, #tpu.memory_space<vmem>>, vector<16xf32>,
      %get3A_608 = arith.index_cast %add3A_604 : i32 to index
      %get3A_609 = arith.constant 16 : index
      %get3A_610 = tpu.vector_load %arg11[%get3A_608, %get3A_609] {strides = array<i32>} : memref<512x32xf32, #tpu.memory_space<vmem>>, vector<16xf32>,
      %get3A_611 = arith.index_cast %add3A_604 : i32 to index
      %get3A_612 = arith.constant 0 : index
      %get3A_613 = tpu.vector_load %arg12[%get3A_611, %get3A_612] {strides = array<i32>} : memref<512x32xf32, #tpu.memory_space<vmem>>, vector<16xf32>,
      %get3A_614 = arith.index_cast %add3A_604 : i32 to index
      %get3A_615 = arith.constant 16 : index
      %get3A_616 = tpu.vector_load %arg12[%get3A_614, %get3A_615] {strides = array<i32>} : memref<512x32xf32, #tpu.memory_space<vmem>>, vector<16xf32>,
      %mul3A_617 = arith.mulf %get3A_607, %get3A_613 : vector<16xf32>
      %mul3A_618 = arith.mulf %get3A_610, %get3A_616 : vector<16xf32>
      %add3A_619 = arith.addf %mul3A_617, %mul3A_618 : vector<16xf32>
      %broadcast_in_dim3A_620 = arith.constant 15 : i32
      %broadcast_in_dim3A_621 = vector.broadcast %broadcast_in_dim3A_620 : i32 to vector<16xi32>
      tpu.vector_store_idx %arg15[%iota3A, %broadcast_in_dim3A_621], %add3A_619 : memref<16x16xf32, #tpu.memory_space<vmem>>[vector<16xi32>, vector<16xi32>], vector<16xf32>,
      %get3A_622 = arith.index_cast %multiple_of3A : i32 to index
      %get3A_623 = tpu.vector_load %arg13[%get3A_622] {strides = array<i32>} : memref<512xf32, #tpu.memory_space<vmem>>, vector<16xf32>,
      %get3A_624 = arith.index_cast %multiple_of3A : i32 to index
      %get3A_625 = tpu.vector_load %arg14[%get3A_624] {strides = array<i32>} : memref<512xf32, #tpu.memory_space<vmem>>, vector<16xf32>,
      %add3A_626 = arith.addf %get3A_623, %get3A_625 : vector<16xf32>
      %get3A_627 = arith.constant 0 : i32
      %get3A_628 = arith.index_cast %get3A_627 : i32 to index
      %get3A_629 = arith.constant 0 : index
      %get3A_630 = tpu.vector_load %arg15[%get3A_628, %get3A_629] {strides = array<i32>} : memref<16x16xf32, #tpu.memory_space<vmem>>, vector<16xf32>,
      %add3A_631 = arith.addf %add3A_626, %get3A_630 : vector<16xf32>
      %get3A_632 = arith.constant 1 : i32
      %get3A_633 = arith.index_cast %get3A_632 : i32 to index
      %get3A_634 = arith.constant 0 : index
      %get3A_635 = tpu.vector_load %arg15[%get3A_633, %get3A_634] {strides = array<i32>} : memref<16x16xf32, #tpu.memory_space<vmem>>, vector<16xf32>,
      %add3A_636 = arith.addf %add3A_631, %get3A_635 : vector<16xf32>
      %get3A_637 = arith.constant 2 : i32
      %get3A_638 = arith.index_cast %get3A_637 : i32 to index
      %get3A_639 = arith.constant 0 : index
      %get3A_640 = tpu.vector_load %arg15[%get3A_638, %get3A_639] {strides = array<i32>} : memref<16x16xf32, #tpu.memory_space<vmem>>, vector<16xf32>,
      %add3A_641 = arith.addf %add3A_636, %get3A_640 : vector<16xf32>
      %get3A_642 = arith.constant 3 : i32
      %get3A_643 = arith.index_cast %get3A_642 : i32 to index
      %get3A_644 = arith.constant 0 : index
      %get3A_645 = tpu.vector_load %arg15[%get3A_643, %get3A_644] {strides = array<i32>} : memref<16x16xf32, #tpu.memory_space<vmem>>, vector<16xf32>,
      %add3A_646 = arith.addf %add3A_641, %get3A_645 : vector<16xf32>
      %get3A_647 = arith.constant 4 : i32
      %get3A_648 = arith.index_cast %get3A_647 : i32 to index
      %get3A_649 = arith.constant 0 : index
      %get3A_650 = tpu.vector_load %arg15[%get3A_648, %get3A_649] {strides = array<i32>} : memref<16x16xf32, #tpu.memory_space<vmem>>, vector<16xf32>,
      %add3A_651 = arith.addf %add3A_646, %get3A_650 : vector<16xf32>
      %get3A_652 = arith.constant 5 : i32
      %get3A_653 = arith.index_cast %get3A_652 : i32 to index
      %get3A_654 = arith.constant 0 : index
      %get3A_655 = tpu.vector_load %arg15[%get3A_653, %get3A_654] {strides = array<i32>} : memref<16x16xf32, #tpu.memory_space<vmem>>, vector<16xf32>,
      %add3A_656 = arith.addf %add3A_651, %get3A_655 : vector<16xf32>
      %get3A_657 = arith.constant 6 : i32
      %get3A_658 = arith.index_cast %get3A_657 : i32 to index
      %get3A_659 = arith.constant 0 : index
      %get3A_660 = tpu.vector_load %arg15[%get3A_658, %get3A_659] {strides = array<i32>} : memref<16x16xf32, #tpu.memory_space<vmem>>, vector<16xf32>,
      %add3A_661 = arith.addf %add3A_656, %get3A_660 : vector<16xf32>
      %get3A_662 = arith.constant 7 : i32
      %get3A_663 = arith.index_cast %get3A_662 : i32 to index
      %get3A_664 = arith.constant 0 : index
      %get3A_665 = tpu.vector_load %arg15[%get3A_663, %get3A_664] {strides = array<i32>} : memref<16x16xf32, #tpu.memory_space<vmem>>, vector<16xf32>,
      %add3A_666 = arith.addf %add3A_661, %get3A_665 : vector<16xf32>
      %get3A_667 = arith.constant 8 : i32
      %get3A_668 = arith.index_cast %get3A_667 : i32 to index
      %get3A_669 = arith.constant 0 : index
      %get3A_670 = tpu.vector_load %arg15[%get3A_668, %get3A_669] {strides = array<i32>} : memref<16x16xf32, #tpu.memory_space<vmem>>, vector<16xf32>,
      %add3A_671 = arith.addf %add3A_666, %get3A_670 : vector<16xf32>
      %get3A_672 = arith.constant 9 : i32
      %get3A_673 = arith.index_cast %get3A_672 : i32 to index
      %get3A_674 = arith.constant 0 : index
      %get3A_675 = tpu.vector_load %arg15[%get3A_673, %get3A_674] {strides = array<i32>} : memref<16x16xf32, #tpu.memory_space<vmem>>, vector<16xf32>,
      %add3A_676 = arith.addf %add3A_671, %get3A_675 : vector<16xf32>
      %get3A_677 = arith.constant 10 : i32
      %get3A_678 = arith.index_cast %get3A_677 : i32 to index
      %get3A_679 = arith.constant 0 : index
      %get3A_680 = tpu.vector_load %arg15[%get3A_678, %get3A_679] {strides = array<i32>} : memref<16x16xf32, #tpu.memory_space<vmem>>, vector<16xf32>,
      %add3A_681 = arith.addf %add3A_676, %get3A_680 : vector<16xf32>
      %get3A_682 = arith.constant 11 : i32
      %get3A_683 = arith.index_cast %get3A_682 : i32 to index
      %get3A_684 = arith.constant 0 : index
      %get3A_685 = tpu.vector_load %arg15[%get3A_683, %get3A_684] {strides = array<i32>} : memref<16x16xf32, #tpu.memory_space<vmem>>, vector<16xf32>,
      %add3A_686 = arith.addf %add3A_681, %get3A_685 : vector<16xf32>
      %get3A_687 = arith.constant 12 : i32
      %get3A_688 = arith.index_cast %get3A_687 : i32 to index
      %get3A_689 = arith.constant 0 : index
      %get3A_690 = tpu.vector_load %arg15[%get3A_688, %get3A_689] {strides = array<i32>} : memref<16x16xf32, #tpu.memory_space<vmem>>, vector<16xf32>,
      %add3A_691 = arith.addf %add3A_686, %get3A_690 : vector<16xf32>
      %get3A_692 = arith.constant 13 : i32
      %get3A_693 = arith.index_cast %get3A_692 : i32 to index
      %get3A_694 = arith.constant 0 : index
      %get3A_695 = tpu.vector_load %arg15[%get3A_693, %get3A_694] {strides = array<i32>} : memref<16x16xf32, #tpu.memory_space<vmem>>, vector<16xf32>,
      %add3A_696 = arith.addf %add3A_691, %get3A_695 : vector<16xf32>
      %get3A_697 = arith.constant 14 : i32
      %get3A_698 = arith.index_cast %get3A_697 : i32 to index
      %get3A_699 = arith.constant 0 : index
      %get3A_700 = tpu.vector_load %arg15[%get3A_698, %get3A_699] {strides = array<i32>} : memref<16x16xf32, #tpu.memory_space<vmem>>, vector<16xf32>,
      %add3A_701 = arith.addf %add3A_696, %get3A_700 : vector<16xf32>
      %get3A_702 = arith.constant 15 : i32
      %get3A_703 = arith.index_cast %get3A_702 : i32 to index
      %get3A_704 = arith.constant 0 : index
      %get3A_705 = tpu.vector_load %arg15[%get3A_703, %get3A_704] {strides = array<i32>} : memref<16x16xf32, #tpu.memory_space<vmem>>, vector<16xf32>,
      %add3A_706 = arith.addf %add3A_701, %get3A_705 : vector<16xf32>
      %swap3A = arith.index_cast %multiple_of3A : i32 to index
      %swap3A_707 = tpu.vector_load %arg16[%swap3A] {strides = array<i32>} : memref<512xf32, #tpu.memory_space<vmem>>, vector<16xf32>,
      tpu.vector_store %arg16[%swap3A], %add3A_706 {strides = array<i32>} : memref<512xf32, #tpu.memory_space<vmem>>, vector<16xf32>,
    }
    %scan3A_316 = arith.constant 32 : i32
    "tpu.region"() ({
      %run_scoped3A_317 = tpu.sem_alloc : memref<!tpu.dma_semaphore, #tpu.memory_space<semaphore_mem>>
      %dma_start3A_318 = tpu.memref_slice %arg8[%mul3A_2] : memref<16384xf32, #tpu.memory_space<hbm>> -> memref<512xf32, #tpu.memory_space<hbm>>
      %dma_start3A_319 = tpu.memref_slice %arg8[%mul3A_2] : memref<16384xf32, #tpu.memory_space<hbm>> -> memref<512xf32, #tpu.memory_space<hbm>>
      tpu.enqueue_dma source(%arg16 : memref<512xf32, #tpu.memory_space<vmem>>) target(%dma_start3A_319 : memref<512xf32, #tpu.memory_space<hbm>>) target_semaphore(%run_scoped3A_317 : memref<!tpu.dma_semaphore, #tpu.memory_space<semaphore_mem>>)
      %dma_wait3A_320 = tpu.memref_slice %arg8[%mul3A_2] : memref<16384xf32, #tpu.memory_space<hbm>> -> memref<512xf32, #tpu.memory_space<hbm>>
      %dma_wait3A_321 = tpu.memref_slice %arg8[%mul3A_2] : memref<16384xf32, #tpu.memory_space<hbm>> -> memref<512xf32, #tpu.memory_space<hbm>>
      tpu.wait_dma2 semaphore(%run_scoped3A_317 : memref<!tpu.dma_semaphore, #tpu.memory_space<semaphore_mem>>) src(%arg16 : memref<512xf32, #tpu.memory_space<vmem>>) dst(%dma_wait3A_321 : memref<512xf32, #tpu.memory_space<hbm>>)
      tpu.yield
    }) : () -> ()
    return
  }
}

</mosaic_0001>

<sc_bundles>
// kernel: kernel.3.cloned.1.call-start
scs
__scs_entry_jumppad:
0x0: {  	(pc) =	sbr.rel $0x88, $3  }
0x1: {  	(tag) =	ssettag $0x0;
	lr =	simm.s32 $0x1  }
0x2: {  	[smem:$0x3F9B] =	sst lr;
	_ =	strace $0xD0000000  }
0x3: {  	_ = 	snop  }
0x4: {  	_ = 	snop  }
0x5: {  	_ = 	snop  }
0x6: {  	_ = 	snop  }
0x7: {  	_ = 	snop  }
__scs_overlays_trampoline_lowered:
0x8: {  	[smem:$0x3FAA] =	sst s0  }
0x9: {  	[smem:$0x3FAB] =	sst s1  }
0xa: {  	[smem:$0x3FAC] =	sst s2  }
0xb: {  	[smem:$0x3FAD] =	sst s3  }
0xc: {  	[smem:$0x3FAE] =	sst s4  }
0xd: {  	[smem:$0x3FAF] =	sst s5  }
0xe: {  	[smem:$0x3FB0] =	sst s6  }
0xf: {  	[smem:$0x3FB1] =	sst s7  }
0x10: {  	[smem:$0x3FB2] =	sst s8  }
0x11: {  	[smem:$0x3FB3] =	sst s9;
	s0 =	simm.s32 @!p0 $0x0  }
0x12: {  	s1 =	sld [smem:$0x3F99];
	s0 =	simm.s32 @p0 $0x1  }
0x13: {  	[smem:$0x3FB4] =	sst s0;
	s0 =	simm.s32 @!p1 $0x0  }
0x14: {  	s2 =	sld [smem:$0x3F98];
	s0 =	simm.s32 @p1 $0x1  }
0x15: {  	[smem:$0x3FB5] =	sst s0;
	s0 =	simm.s32 @!p2 $0x0  }
0x16: {  	s3 =	sld [smem:$0x3FDB];
	s0 =	simm.s32 @p2 $0x1  }
0x17: {  	s4 =	simm.s32 $0x1BF5;
	[smem:$0x3FB7] =	sst s0  }
0x18: {  	s0 =	sld [smem:$0x3F9A];
	_ =	swait.ge [sflag:s4], $0x0  }
0x19: {  	s7 =	sld [smem:$0x3F9B]  }
0x1a: {  	s8 =	sadd.s32 $0xFFFFE003, lr  }
0x1b: {  	s9 =	sadd.s32 $0xFFFFFEF7, lr;
	s5 =	simm.s32 $0xFFFFFFFF;
	p2 =	slt.u32 s8, $0xFFFFF086  }
0x1c: {  	p1 =	slt.u32 s9, $0xF7A;
	s5 =	simm.s32 @!p2 $0x0  }
0x1d: {  	s5 =	simm.s32 @p1 $0x1;
	p0 =	seq.s32 s7, s2  }
0x1e: {  	s7 =	smul.u32 @!p0 $0xF7A, s2;
	p2 =	seq.s32 @!p0 s5, $0x0  }
0x1f: {  	s9 =	smul.u32 $0xF7A, s1;
	s8 =	simm.s32 @!p0 $0x1BF5;
	p2 =	por !p2, p0  }
0x20: {  	[sflag:s8] =	ssyncset.s32 @!p0 $0xFFFFF086;
	s6 =	sadd.s32 @!p0 s3, s7;
	s7 =	simm.s32 @!p0 $0x108  }
0x21: {  	s3 =	sadd.s32 s3, s9;
	s6 =	sadd.s32 @!p0 $0x88, s6;
	s7 =	simm.s32 @p2 $0x1082  }
0x22: {  	[simem:s7], [sflag:s8] =	dma.local @!p0 [hbm:s6], $0xF7A  }
0x23: {  	s9 =	sor.u32 $0xD0000000, s2;
	s6 =	simm.s32 $0x108;
	_ =	swait.ge @!p0 [sflag:s8], $0x0  }
0x24: {  	s3 =	sadd.s32 $0x88, s3;
	s6 =	simm.s32 @!p1 $0x1082;
	[sflag:s4] =	ssyncset.s32 $0xFFFFF086  }
0x25: {  	[simem:s6], [sflag:s4] =	dma.local [hbm:s3], $0xF7A  }
0x26: {  	[smem:$0x3F9B] =	sst s1;
	(tag) =	ssettag s2;
	_ =	strace s9  }
0x27: {  	s1 =	sld [smem:$0x3FAB]  }
0x28: {  	s2 =	sld [smem:$0x3FAC]  }
0x29: {  	s4 =	sld [smem:$0x3FAE]  }
0x2a: {  	p0 =	seq.s32 s5, $0x0;
	s5 =	sld [smem:$0x3FAF]  }
0x2b: {  	s6 =	sld [smem:$0x3FB0]  }
0x2c: {  	s7 =	sld [smem:$0x3FB1]  }
0x2d: {  	s3 =	simm.s32 $0x108;
	s8 =	sld [smem:$0x3FB2]  }
0x2e: {  	s3 =	simm.s32 @!p0 $0x1082;
	s9 =	sld [smem:$0x3FB3]  }
0x2f: {  	lr =	sadd.s32 s0, s3;
	s0 =	sld [smem:$0x3FAA]  }
0x30: {  	s3 =	sld [smem:$0x3FAD]  }
0x31: {  	[smem:$0x3FB6] =	sst s10  }
0x32: {  	s10 =	sld [smem:$0x3FB4];
	_ =	sdelay $0x3  }
0x33: {  	p0 =	seq.s32 s10, $0x1;
	s10 =	sld [smem:$0x3FB6];
	_ =	sdelay $0x3  }
0x34: {  	[smem:$0x3FB6] =	sst s10  }
0x35: {  	s10 =	sld [smem:$0x3FB5];
	_ =	sdelay $0x3  }
0x36: {  	p1 =	seq.s32 s10, $0x1;
	s10 =	sld [smem:$0x3FB6];
	_ =	sdelay $0x3  }
0x37: {  	[smem:$0x3FB6] =	sst s10  }
0x38: {  	s10 =	sld [smem:$0x3FB7]  }
0x39: {  	_ = 	snop;
	(pc) =	sbr.ind lr, $3  }
0x3a: {  	_ = 	snop  }
0x3b: {  	_ = 	snop  }
0x3c: {  	p2 =	seq.s32 s10, $0x1;
	s10 =	sld [smem:$0x3FB6]  }
0x3d: {  	_ =	shalt  }
0x3e: {  	_ =	shalt  }
0x3f: {  	_ =	shalt  }
0x40: {  	_ =	shalt  }
0x41: {  	_ =	shalt  }
0x42: {  	_ =	shalt  }
0x43: {  	_ =	shalt  }
0x44: {  	_ =	shalt  }
0x45: {  	_ =	shalt  }
0x46: {  	_ =	shalt  }
0x47: {  	_ =	shalt  }
0x48: {  	_ =	shalt  }
0x49: {  	_ =	shalt  }
0x4a: {  	_ =	shalt  }
0x4b: {  	_ =	shalt  }
0x4c: {  	_ =	shalt  }
0x4d: {  	_ =	shalt  }
0x4e: {  	_ =	shalt  }
0x4f: {  	_ =	shalt  }
0x50: {  	_ =	shalt  }
0x51: {  	_ =	shalt  }
0x52: {  	_ =	shalt  }
0x53: {  	_ =	shalt  }
0x54: {  	_ =	shalt  }
0x55: {  	_ =	shalt  }
0x56: {  	_ =	shalt  }
0x57: {  	_ =	shalt  }
0x58: {  	_ =	shalt  }
0x59: {  	_ =	shalt  }
0x5a: {  	_ =	shalt  }
0x5b: {  	_ =	shalt  }
0x5c: {  	_ =	shalt  }
0x5d: {  	_ =	shalt  }
0x5e: {  	_ =	shalt  }
0x5f: {  	_ =	shalt  }
0x60: {  	_ =	shalt  }
0x61: {  	_ =	shalt  }
0x62: {  	_ =	shalt  }
0x63: {  	_ =	shalt  }
0x64: {  	_ =	shalt  }
0x65: {  	_ =	shalt  }
0x66: {  	_ =	shalt  }
0x67: {  	_ =	shalt  }
0x68: {  	_ =	shalt  }
0x69: {  	_ =	shalt  }
0x6a: {  	_ =	shalt  }
0x6b: {  	_ =	shalt  }
0x6c: {  	_ =	shalt  }
0x6d: {  	_ =	shalt  }
0x6e: {  	_ =	shalt  }
0x6f: {  	_ =	shalt  }
0x70: {  	_ =	shalt  }
0x71: {  	_ =	shalt  }
0x72: {  	_ =	shalt  }
0x73: {  	_ =	shalt  }
0x74: {  	_ =	shalt  }
0x75: {  	_ =	shalt  }
0x76: {  	_ =	shalt  }
0x77: {  	_ =	shalt  }
0x78: {  	_ =	shalt  }
0x79: {  	_ =	shalt  }
0x7a: {  	_ =	shalt  }
0x7b: {  	_ =	shalt  }
0x7c: {  	_ =	shalt  }
0x7d: {  	_ =	shalt  }
0x7e: {  	_ =	shalt  }
0x7f: {  	_ =	shalt  }
0x80: {  	_ =	shalt  }
0x81: {  	_ =	shalt  }
0x82: {  	_ =	shalt  }
0x83: {  	_ =	shalt  }
0x84: {  	_ =	shalt  }
0x85: {  	_ =	shalt  }
0x86: {  	_ =	shalt  }
0x87: {  	_ =	shalt  }
.Lfunc_end0:
.L_simem_size_0:
called_computation.2_lowered:
.L_overlay_start_0:
0x88: {  	s2 =	sld [smem:$0x3FD9]  }
0x89: {  	s3 =	sld [smem:$0x3FFE];
	_ =	sdelay $0x1  }
0x8a: {  	s1 =	srdreg.scid  }
0x8b: {  	s0 =	sand.u32 $0x1, s1  }
0x8c: {  	s17 =	sshll.u32 s0, $0xA;
	s2 =	sadd.s32 s3, s2  }
0x8d: {  	s2 =	sadd.s32 s2, s17  }
0x8e: {  	[smem:$0x3FC2] =	sst s2  }
0x8f: {  	_ = 	snop  }
0x90: {  	s2 =	sld [smem:$0x3FC9]  }
0x91: {  	s18 =	sld [smem:$0x3FC8]  }
0x92: {  	s4 =	sld [smem:$0x3FD0];
	(tm) =	ssettm $0x1  }
0x93: {  	s5 =	sld [smem:$0x3FFB];
	_ =	sdelay $0x3  }
0x94: {  	_ =	strace s5  }
0x95: {  	s5 =	sld [smem:$0x3FFC];
	_ =	sdelay $0x3  }
0x96: {  	_ =	strace s5  }
0x97: {  	s5 =	sld [smem:$0x3FFD];
	_ =	sdelay $0x3  }
0x98: {  	_ =	strace s5  }
0x99: {  	_ =	strace $0x8FFFFFFF  }
0x9a: {  	s19 =	sld [smem:$0x3FDB];
	_ =	sdelay $0x1  }
0x9b: {  	s6 =	simm.s32 $_scs_section_size  }
0x9c: {  	s7 =	simm.s32 $_size__tile_overlayer_lowered;
	s8 =	simm.s32 $_tile_overlayer_lowered  }
0x9d: {  	s22 =	simm.s32 $0x1BFF;
	s21 =	sshll.u32 s8, $0x1;
	s5 =	sadd.s32 s6, s19  }
0x9e: {  	s9 =	simm.s32 $0x0;
	s20 =	sshll.u32 s7, $0x1;
	s7 =	sadd.s32 s21, s5  }
0x9f: {  	[timem:s9], [sflag:s22] =	dma.local [hbm:s7], s20  }
0xa0: {  	_ =	swait.ge [sflag:s22], s20  }
0xa1: {  	s6 =	ssub.s32 $0x0, s20;
	[sflag:s22] =	ssyncset.done $0x0  }
0xa2: {  	[sflag:s22] =	ssyncadd.s32 s6;
	_ =	sdelay $0x1  }
0xa3: {  	s23 =	simm.s32 $0x1B8B  }
0xa4: {  	_ =	swait.ge [sflag:s23], $0x1  }
0xa5: {  	[sflag:s23] =	ssyncset.done $0x0  }
0xa6: {  	s25 =	simm.s32 $0x1B8E;
	s24 =	sld [smem:$0x3FFE];
	[sflag:s23] =	ssyncadd.s32 $0xFFFFFFFF  }
0xa7: {  	s26 =	simm.s32 $execute0_lowered;
	[smem:$0x3FD2] =	sst s25  }
0xa8: {  	s7 =	sshll.u32 s26, $0x1;
	_ =	strace $0x8000004C;
	[dreg:$0x1] =	wrdreg $0xFFFFFFFF  }
0xa9: {  	s28 =	simm.s32 $_size_execute0_lowered;
	s5 =	sadd.s32 s5, s7;
	[dreg:$0x0] =	wrdreg $0x0  }
0xaa: {  	s7 =	sshll.u32 s28, $0x1;
	[dreg:$0x2] =	wrdreg s5  }
0xab: {  	[dreg:$0x3] =	wrdreg s7  }
0xac: {  	[dreg:$0x4] =	wrdreg $0xC0  }
0xad: {  	_ =	task [dreg:s9], $0x5FFFF  }
0xae: {  	[dreg:$0x1] =	wrdreg $0xFFFFFFFF  }
0xaf: {  	[dreg:$0x0] =	wrdreg $0x60  }
0xb0: {  	[dreg:$0x2] =	wrdreg s2  }
0xb1: {  	[dreg:$0x3] =	wrdreg s18  }
0xb2: {  	[dreg:$0x4] =	wrdreg s24  }
0xb3: {  	[dreg:$0x5] =	wrdreg s4  }
0xb4: {  	[dreg:$0x6] =	wrdreg $0x9  }
0xb5: {  	_ =	task.clear_ibuf [dreg:s9], $0x7FFFF;
	_ =	strace $0x9000004C  }
0xb6: {  	s29 =	simm.s32 $0x9;
	_ =	strace $0x8000004E  }
0xb7: {  	_ =	swait.ge [sflag:s29], $0x1  }
0xb8: {  	[sflag:s29] =	ssyncadd.s32 $0xFFFFFFFF  }
0xb9: {  	_ =	strace $0x9000004E  }
0xba: {  	_ =	sfence  }
0xbb: {  	s30 =	sld [smem:$0x0];
	_ =	sdelay $0x2  }
0xbc: {  	s31 =	sshll.u32 s1, $0xD;
	s1 =	sshrl.u32 s1, $0x2  }
0xbd: {  	s3 =	sand.u32 $0x4000, s31;
	s1 =	sadd.s32 s1, s30  }
0xbe: {  	s0 =	sor.u32 s3, s0;
	s1 =	sshll.u32 s1, $0x11  }
0xbf: {  	s0 =	sor.u32 s1, s0  }
0xc0: {  	s0 =	sadd.s32 $0x8F2B, s0  }
0xc1: {  	[sflag:s0] =	ssyncadd.remote.s32 $0x1  }
0xc2: {  	_ =	sfence.sel $0xFFFF  }
0xc3: {  	[dreg:$0x0] =	wrdreg $0xFFFFFFFF;
	(pc) =	sbr.abs _section_cstart, $3  }
0xc4: {  	[dreg:$0x1] =	wrdreg $0xFFFFFFFF  }
0xc5: {  	_ =	task.clear_ibuf [dreg:s9], $0x2FFFF;
	_ =	strace $0x9FFFFFFF  }
0xc6: {  	(tm) =	ssettm $0x7FFFFFFF  }
0xc7: {  	_ =	shalt  }
tec
execute0_lowered:
.L_overlay_start_1:
0x0: {  	(tag) =	ssettag $0x1  }
0x1: {  	s0 =	rddreg [dreg:$0x0]  }
0x2: {  	s2 =	rddreg [dreg:$0x1]  }
0x3: {  	s6 =	rddreg [dreg:$0x2]  }
0x4: {  	s15 =	rddreg [dreg:$0x3];
	s1 =	simm.s32 $0x0;
	s7 =	srdreg.scid  }
0x5: {  	s9 =	stileid.u32;
	s18 =	simm.s32 $0x200;
	s19 =	simm.s32 $0x80  }
0x6: {  	s20 =	simm.s32 $0x280;
	s21 =	simm.s32 $0x100;
	s22 =	simm.s32 $0x300  }
0x7: {  	s23 =	simm.s32 $0x180;
	s24 =	simm.s32 $0x380;
	s25 =	simm.s32 $0x1  }
0x8: {  	s26 =	simm.s32 $0x8800;
	s29 =	simm.s32 $0x0;
	[smem:$0x7FF] =	sst s1  }
0x9: {  	s3 =	sadd.s32 $0x1313600, s6;
	s4 =	sadd.s32 $0x2645000, s6;
	s7 =	sand.u32 $0x1, s7  }
0xa: {  	v0 =	vlaneseq.u32;
	s5 =	sadd.s32 $0x600, s6;
	s9 =	sshll.u32 s9, $0x7;
	s8 =	ssub.s32 $0x2, s7  }
0xb: {  	s6 =	sadd.s32 $0x2626600, s6;
	v0 =	vmul.u32 $0x10, v0;
	s7 =	sshll.u32 s7, $0x6;
	s10 =	sshrl.u32 s8, $0x1  }
0xc: {  	_ =	strace $0x8000004D;
	s16 =	sor.u32 s7, s9;
	s17 =	ssub.s32 s8, s10  }
0xd: {  	v1 =	vor.u32 $0x1, v0;
	v2 =	vor.u32 $0x2, v0;
	v3 =	vor.u32 $0x3, v0;
	s7 =	sadd.s32 s0, s16;
	s31 =	sor.u32 $0x10, s16;
	s8 =	sadd.s32 s2, s16  }
0xe: {  	v4 =	vor.u32 $0x4, v0;
	v5 =	vor.u32 $0x5, v0;
	v6 =	vor.u32 $0x6, v0;
	s12 =	sor.u32 $0x20, s16;
	s14 =	sor.u32 $0x30, s16;
	s15 =	sadd.s32 s15, s16  }
0xf: {  	v7 =	vor.u32 $0x7, v0;
	v8 =	vor.u32 $0x8, v0;
	v9 =	vor.u32 $0x9, v0;
	[dreg:$0x5] =	wrdreg s7;
	s9 =	sadd.s32 s0, s31;
	s10 =	sadd.s32 s2, s31  }
0x10: {  	v10 =	vor.u32 $0xA, v0;
	v11 =	vor.u32 $0xB, v0;
	v12 =	vor.u32 $0xC, v0;
	s11 =	sadd.s32 s0, s12;
	s12 =	sadd.s32 s2, s12;
	s13 =	sadd.s32 s0, s14  }
0x11: {  	v13 =	vor.u32 $0xD, v0;
	v14 =	vor.u32 $0xE, v0;
	v15 =	vor.u32 $0xF, v0;
	s14 =	sadd.s32 s2, s14;
	s16 =	smax.u32 s17, $0x1;
	s17 =	simm.s32 $0x2  }
.LBB2_1:
0x12: {  	s0 =	rddreg [dreg:$0x5]  }
0x13: {  	[tilespmem:s1], [sflag:$0x2] =	stream.linear.gather [hbm4b:s0+s1], $0x80, $0x38;
	[tilespmem:$0x8B00] =	vst v63  }
0x14: {  	_ =	swait.ge [sflag:s17], $0x80  }
0x15: {  	[sflag:s17] =	ssyncset.done $0x0  }
0x16: {  	[sflag:s17] =	ssyncadd.s32 $0xFFFFFF80  }
0x17: {  	[tilespmem:s18], [sflag:$0x2] =	stream.linear.gather [hbm4b:s8+s1], $0x80, $0x38;
	[tilespmem:$0x8B00] =	vst v63  }
0x18: {  	_ =	swait.ge [sflag:s17], $0x80  }
0x19: {  	[sflag:s17] =	ssyncset.done $0x0  }
0x1a: {  	[sflag:s17] =	ssyncadd.s32 $0xFFFFFF80  }
0x1b: {  	[tilespmem:s19], [sflag:$0x2] =	stream.linear.gather [hbm4b:s9+s1], $0x80, $0x38;
	[tilespmem:$0x8B00] =	vst v63  }
0x1c: {  	_ =	swait.ge [sflag:s17], $0x80  }
0x1d: {  	[sflag:s17] =	ssyncset.done $0x0  }
0x1e: {  	[sflag:s17] =	ssyncadd.s32 $0xFFFFFF80  }
0x1f: {  	[tilespmem:s20], [sflag:$0x2] =	stream.linear.gather [hbm4b:s10+s1], $0x80, $0x38;
	[tilespmem:$0x8B00] =	vst v63  }
0x20: {  	_ =	swait.ge [sflag:s17], $0x80  }
0x21: {  	[sflag:s17] =	ssyncset.done $0x0  }
0x22: {  	[sflag:s17] =	ssyncadd.s32 $0xFFFFFF80  }
0x23: {  	[tilespmem:s21], [sflag:$0x2] =	stream.linear.gather [hbm4b:s11+s1], $0x80, $0x38;
	[tilespmem:$0x8B00] =	vst v63  }
0x24: {  	_ =	swait.ge [sflag:s17], $0x80  }
0x25: {  	[sflag:s17] =	ssyncset.done $0x0  }
0x26: {  	[sflag:s17] =	ssyncadd.s32 $0xFFFFFF80  }
0x27: {  	[tilespmem:s22], [sflag:$0x2] =	stream.linear.gather [hbm4b:s12+s1], $0x80, $0x38;
	[tilespmem:$0x8B00] =	vst v63  }
0x28: {  	_ =	swait.ge [sflag:s17], $0x80  }
0x29: {  	[sflag:s17] =	ssyncset.done $0x0  }
0x2a: {  	[sflag:s17] =	ssyncadd.s32 $0xFFFFFF80  }
0x2b: {  	[tilespmem:s23], [sflag:$0x2] =	stream.linear.gather [hbm4b:s13+s1], $0x80, $0x38;
	[tilespmem:$0x8B00] =	vst v63  }
0x2c: {  	_ =	swait.ge [sflag:s17], $0x80  }
0x2d: {  	[sflag:s17] =	ssyncset.done $0x0  }
0x2e: {  	[sflag:s17] =	ssyncadd.s32 $0xFFFFFF80  }
0x2f: {  	[tilespmem:s24], [sflag:$0x2] =	stream.linear.gather [hbm4b:s14+s1], $0x80, $0x38;
	[tilespmem:$0x8B00] =	vst v63  }
0x30: {  	_ =	swait.ge [sflag:s17], $0x80  }
0x31: {  	[sflag:s17] =	ssyncset.done $0x0  }
0x32: {  	s28 =	simm.s32 $0x400;
	[sflag:s17] =	ssyncadd.s32 $0xFFFFFF80  }
0x33: {  	[tilespmem:s28], [sflag:$0x1] =	stream.indirect.gather [hbm4b:s3+s19], $0x20, s1, s19, $0xb8;
	[tilespmem:$0x8B00] =	vst v63  }
0x34: {  	s2 =	simm.s32 $0x4400  }
0x35: {  	[tilespmem:s2], [sflag:$0x1] =	stream.indirect.gather [hbm4b:s5+s19], $0x20, s18, s19, $0xb8;
	[tilespmem:$0x8B00] =	vst v63  }
0x36: {  	s7 =	simm.s32 $0x8400  }
0x37: {  	[tilespmem:s7], [sflag:$0x1] =	stream.indirect.gather [hbm4b:s4+s19], $0x1, s1, s19, $0xb8;
	[tilespmem:$0x8B00] =	vst v63  }
0x38: {  	s28 =	simm.s32 $0x8600  }
0x39: {  	[tilespmem:s28], [sflag:$0x1] =	stream.indirect.gather [hbm4b:s6+s19], $0x1, s18, s19, $0xb8;
	[tilespmem:$0x8B00] =	vst v63  }
0x3a: {  	s2 =	simm.s32 $0x1400  }
0x3b: {  	[tilespmem:s2], [sflag:$0x1] =	stream.indirect.gather [hbm4b:s3+s19], $0x20, s19, s19, $0xb8;
	[tilespmem:$0x8B00] =	vst v63  }
0x3c: {  	s7 =	simm.s32 $0x5400  }
0x3d: {  	[tilespmem:s7], [sflag:$0x1] =	stream.indirect.gather [hbm4b:s5+s19], $0x20, s20, s19, $0xb8;
	[tilespmem:$0x8B00] =	vst v63  }
0x3e: {  	s28 =	simm.s32 $0x8480  }
0x3f: {  	[tilespmem:s28], [sflag:$0x1] =	stream.indirect.gather [hbm4b:s4+s19], $0x1, s19, s19, $0xb8;
	[tilespmem:$0x8B00] =	vst v63  }
0x40: {  	s2 =	simm.s32 $0x8680  }
0x41: {  	[tilespmem:s2], [sflag:$0x1] =	stream.indirect.gather [hbm4b:s6+s19], $0x1, s20, s19, $0xb8;
	[tilespmem:$0x8B00] =	vst v63  }
0x42: {  	s7 =	simm.s32 $0x2400  }
0x43: {  	[tilespmem:s7], [sflag:$0x1] =	stream.indirect.gather [hbm4b:s3+s19], $0x20, s21, s19, $0xb8;
	[tilespmem:$0x8B00] =	vst v63  }
0x44: {  	s28 =	simm.s32 $0x6400  }
0x45: {  	[tilespmem:s28], [sflag:$0x1] =	stream.indirect.gather [hbm4b:s5+s19], $0x20, s22, s19, $0xb8;
	[tilespmem:$0x8B00] =	vst v63  }
0x46: {  	s2 =	simm.s32 $0x8500  }
0x47: {  	[tilespmem:s2], [sflag:$0x1] =	stream.indirect.gather [hbm4b:s4+s19], $0x1, s21, s19, $0xb8;
	[tilespmem:$0x8B00] =	vst v63  }
0x48: {  	s7 =	simm.s32 $0x8700  }
0x49: {  	[tilespmem:s7], [sflag:$0x1] =	stream.indirect.gather [hbm4b:s6+s19], $0x1, s22, s19, $0xb8;
	[tilespmem:$0x8B00] =	vst v63  }
0x4a: {  	s28 =	simm.s32 $0x3400  }
0x4b: {  	[tilespmem:s28], [sflag:$0x1] =	stream.indirect.gather [hbm4b:s3+s19], $0x20, s23, s19, $0xb8;
	[tilespmem:$0x8B00] =	vst v63  }
0x4c: {  	s2 =	simm.s32 $0x7400  }
0x4d: {  	[tilespmem:s2], [sflag:$0x1] =	stream.indirect.gather [hbm4b:s5+s19], $0x20, s24, s19, $0xb8;
	[tilespmem:$0x8B00] =	vst v63  }
0x4e: {  	s7 =	simm.s32 $0x8580  }
0x4f: {  	[tilespmem:s7], [sflag:$0x1] =	stream.indirect.gather [hbm4b:s4+s19], $0x1, s23, s19, $0xb8;
	[tilespmem:$0x8B00] =	vst v63  }
0x50: {  	s28 =	simm.s32 $0x8780  }
0x51: {  	[tilespmem:s28], [sflag:$0x1] =	stream.indirect.gather [hbm4b:s6+s19], $0x1, s24, s19, $0xb8;
	[tilespmem:$0x8B00] =	vst v63  }
0x52: {  	_ =	swait.ge [sflag:s25], $0x1000  }
0x53: {  	[sflag:s25] =	ssyncset.done $0x0  }
0x54: {  	[sflag:s25] =	ssyncadd.s32 $0xFFFFF000  }
0x55: {  	_ =	swait.ge [sflag:s25], $0x1000  }
0x56: {  	[sflag:s25] =	ssyncset.done $0x0  }
0x57: {  	[sflag:s25] =	ssyncadd.s32 $0xFFFFF000  }
0x58: {  	_ =	swait.ge [sflag:s25], $0x80  }
0x59: {  	[sflag:s25] =	ssyncset.done $0x0  }
0x5a: {  	[sflag:s25] =	ssyncadd.s32 $0xFFFFFF80  }
0x5b: {  	_ =	swait.ge [sflag:s25], $0x80  }
0x5c: {  	[sflag:s25] =	ssyncset.done $0x0  }
0x5d: {  	[sflag:s25] =	ssyncadd.s32 $0xFFFFFF80  }
0x5e: {  	_ =	swait.ge [sflag:s25], $0x1000  }
0x5f: {  	[sflag:s25] =	ssyncset.done $0x0  }
0x60: {  	[sflag:s25] =	ssyncadd.s32 $0xFFFFF000  }
0x61: {  	_ =	swait.ge [sflag:s25], $0x1000  }
0x62: {  	[sflag:s25] =	ssyncset.done $0x0  }
0x63: {  	[sflag:s25] =	ssyncadd.s32 $0xFFFFF000  }
0x64: {  	_ =	swait.ge [sflag:s25], $0x80  }
0x65: {  	[sflag:s25] =	ssyncset.done $0x0  }
0x66: {  	[sflag:s25] =	ssyncadd.s32 $0xFFFFFF80  }
0x67: {  	_ =	swait.ge [sflag:s25], $0x80  }
0x68: {  	[sflag:s25] =	ssyncset.done $0x0  }
0x69: {  	[sflag:s25] =	ssyncadd.s32 $0xFFFFFF80  }
0x6a: {  	_ =	swait.ge [sflag:s25], $0x1000  }
0x6b: {  	[sflag:s25] =	ssyncset.done $0x0  }
0x6c: {  	[sflag:s25] =	ssyncadd.s32 $0xFFFFF000  }
0x6d: {  	_ =	swait.ge [sflag:s25], $0x1000  }
0x6e: {  	[sflag:s25] =	ssyncset.done $0x0  }
0x6f: {  	[sflag:s25] =	ssyncadd.s32 $0xFFFFF000  }
0x70: {  	_ =	swait.ge [sflag:s25], $0x80  }
0x71: {  	[sflag:s25] =	ssyncset.done $0x0  }
0x72: {  	[sflag:s25] =	ssyncadd.s32 $0xFFFFFF80  }
0x73: {  	_ =	swait.ge [sflag:s25], $0x80  }
0x74: {  	[sflag:s25] =	ssyncset.done $0x0  }
0x75: {  	[sflag:s25] =	ssyncadd.s32 $0xFFFFFF80  }
0x76: {  	_ =	swait.ge [sflag:s25], $0x1000  }
0x77: {  	[sflag:s25] =	ssyncset.done $0x0  }
0x78: {  	[sflag:s25] =	ssyncadd.s32 $0xFFFFF000  }
0x79: {  	_ =	swait.ge [sflag:s25], $0x1000  }
0x7a: {  	[sflag:s25] =	ssyncset.done $0x0  }
0x7b: {  	[sflag:s25] =	ssyncadd.s32 $0xFFFFF000  }
0x7c: {  	_ =	swait.ge [sflag:s25], $0x80  }
0x7d: {  	[sflag:s25] =	ssyncset.done $0x0  }
0x7e: {  	[sflag:s25] =	ssyncadd.s32 $0xFFFFFF80  }
0x7f: {  	_ =	swait.ge [sflag:s25], $0x80  }
0x80: {  	[sflag:s25] =	ssyncset.done $0x0  }
0x81: {  	s30 =	simm.s32 $0x500;
	[sflag:s25] =	ssyncadd.s32 $0xFFFFFF80  }
0x82: {  	s31 =	simm.s32 $0x4500;
	v16 =	vld [tilespmem:s30+$0xFFFFFF00]  }
0x83: {  	v17 =	vld [tilespmem:s31+$0xFFFFFF10]  }
0x84: {  	v18 =	vld [tilespmem:s31+$0xFFFFFF00]  }
0x85: {  	v19 =	vld [tilespmem:s30+$0xFFFFFF10];
	_ =	sdelay $0x4  }
0x86: {  	v16 =	vmul.f32 v18, v16;
	v17 =	vmul.f32 v17, v19;
	_ =	sdelay $0x1  }
0x87: {  	v16 =	vadd.f32 v17, v16;
	_ =	sdelay $0x1  }
0x88: {  	[tilespmem:v0+s26+$0x0] =	vst.idx.msk $0xffff, v16  }
0x89: {  	v16 =	vld [tilespmem:s31+$0xFFFFFF30]  }
0x8a: {  	v17 =	vld [tilespmem:s31+$0xFFFFFF20]  }
0x8b: {  	v18 =	vld [tilespmem:s30+$0xFFFFFF30]  }
0x8c: {  	v19 =	vld [tilespmem:s30+$0xFFFFFF20];
	_ =	sdelay $0x4  }
0x8d: {  	v16 =	vmul.f32 v16, v18;
	v17 =	vmul.f32 v17, v19;
	_ =	sdelay $0x1  }
0x8e: {  	v16 =	vadd.f32 v16, v17;
	_ =	sdelay $0x1  }
0x8f: {  	[tilespmem:v1+s26+$0x0] =	vst.idx.msk $0xffff, v16  }
0x90: {  	v16 =	vld [tilespmem:s31+$0xFFFFFF40]  }
0x91: {  	v17 =	vld [tilespmem:s30+$0xFFFFFF50]  }
0x92: {  	v18 =	vld [tilespmem:s30+$0xFFFFFF40]  }
0x93: {  	v19 =	vld [tilespmem:s31+$0xFFFFFF50];
	_ =	sdelay $0x4  }
0x94: {  	v16 =	vmul.f32 v16, v18;
	v17 =	vmul.f32 v19, v17;
	_ =	sdelay $0x1  }
0x95: {  	v16 =	vadd.f32 v17, v16;
	_ =	sdelay $0x1  }
0x96: {  	[tilespmem:v2+s26+$0x0] =	vst.idx.msk $0xffff, v16  }
0x97: {  	v16 =	vld [tilespmem:s31+$0xFFFFFF60]  }
0x98: {  	v17 =	vld [tilespmem:s30+$0xFFFFFF70]  }
0x99: {  	v18 =	vld [tilespmem:s30+$0xFFFFFF60]  }
0x9a: {  	v19 =	vld [tilespmem:s31+$0xFFFFFF70];
	_ =	sdelay $0x4  }
0x9b: {  	v16 =	vmul.f32 v16, v18;
	v17 =	vmul.f32 v19, v17;
	_ =	sdelay $0x1  }
0x9c: {  	v16 =	vadd.f32 v17, v16;
	_ =	sdelay $0x1  }
0x9d: {  	[tilespmem:v3+s26+$0x0] =	vst.idx.msk $0xffff, v16  }
0x9e: {  	v16 =	vld [tilespmem:s31+$0xFFFFFF80]  }
0x9f: {  	v17 =	vld [tilespmem:s30+$0xFFFFFF90]  }
0xa0: {  	v18 =	vld [tilespmem:s30+$0xFFFFFF80]  }
0xa1: {  	v19 =	vld [tilespmem:s31+$0xFFFFFF90];
	_ =	sdelay $0x4  }
0xa2: {  	v16 =	vmul.f32 v16, v18;
	v17 =	vmul.f32 v19, v17;
	_ =	sdelay $0x1  }
0xa3: {  	v16 =	vadd.f32 v17, v16;
	_ =	sdelay $0x1  }
0xa4: {  	[tilespmem:v4+s26+$0x0] =	vst.idx.msk $0xffff, v16  }
0xa5: {  	v16 =	vld [tilespmem:s31+$0xFFFFFFA0]  }
0xa6: {  	v17 =	vld [tilespmem:s30+$0xFFFFFFB0]  }
0xa7: {  	v18 =	vld [tilespmem:s30+$0xFFFFFFA0]  }
0xa8: {  	v19 =	vld [tilespmem:s31+$0xFFFFFFB0];
	_ =	sdelay $0x4  }
0xa9: {  	v16 =	vmul.f32 v16, v18;
	v17 =	vmul.f32 v19, v17;
	_ =	sdelay $0x1  }
0xaa: {  	v16 =	vadd.f32 v17, v16;
	_ =	sdelay $0x1  }
0xab: {  	[tilespmem:v5+s26+$0x0] =	vst.idx.msk $0xffff, v16  }
0xac: {  	v16 =	vld [tilespmem:s31+$0xFFFFFFD0]  }
0xad: {  	v17 =	vld [tilespmem:s30+$0xFFFFFFD0]  }
0xae: {  	v18 =	vld [tilespmem:s30+$0xFFFFFFC0]  }
0xaf: {  	v19 =	vld [tilespmem:s31+$0xFFFFFFC0];
	_ =	sdelay $0x4  }
0xb0: {  	v16 =	vmul.f32 v16, v17;
	v17 =	vmul.f32 v19, v18;
	_ =	sdelay $0x1  }
0xb1: {  	v16 =	vadd.f32 v16, v17;
	_ =	sdelay $0x1  }
0xb2: {  	[tilespmem:v6+s26+$0x0] =	vst.idx.msk $0xffff, v16  }
0xb3: {  	v16 =	vld [tilespmem:s31+$0xFFFFFFE0]  }
0xb4: {  	v17 =	vld [tilespmem:s30+$0xFFFFFFF0]  }
0xb5: {  	v18 =	vld [tilespmem:s30+$0xFFFFFFE0]  }
0xb6: {  	v19 =	vld [tilespmem:s31+$0xFFFFFFF0];
	_ =	sdelay $0x4  }
0xb7: {  	v16 =	vmul.f32 v16, v18;
	v17 =	vmul.f32 v19, v17;
	_ =	sdelay $0x1  }
0xb8: {  	v16 =	vadd.f32 v17, v16;
	_ =	sdelay $0x1  }
0xb9: {  	[tilespmem:v7+s26+$0x0] =	vst.idx.msk $0xffff, v16  }
0xba: {  	v16 =	vld [tilespmem:s31+$0x0]  }
0xbb: {  	v17 =	vld [tilespmem:s30+$0x10]  }
0xbc: {  	v18 =	vld [tilespmem:s30+$0x0]  }
0xbd: {  	v19 =	vld [tilespmem:s31+$0x10];
	_ =	sdelay $0x4  }
0xbe: {  	v16 =	vmul.f32 v16, v18;
	v17 =	vmul.f32 v19, v17;
	_ =	sdelay $0x1  }
0xbf: {  	v16 =	vadd.f32 v17, v16;
	_ =	sdelay $0x1  }
0xc0: {  	[tilespmem:v8+s26+$0x0] =	vst.idx.msk $0xffff, v16  }
0xc1: {  	v16 =	vld [tilespmem:s31+$0x20]  }
0xc2: {  	v17 =	vld [tilespmem:s30+$0x30]  }
0xc3: {  	v18 =	vld [tilespmem:s30+$0x20]  }
0xc4: {  	v19 =	vld [tilespmem:s31+$0x30];
	_ =	sdelay $0x4  }
0xc5: {  	v16 =	vmul.f32 v16, v18;
	v17 =	vmul.f32 v19, v17;
	_ =	sdelay $0x1  }
0xc6: {  	v16 =	vadd.f32 v17, v16;
	_ =	sdelay $0x1  }
0xc7: {  	[tilespmem:v9+s26+$0x0] =	vst.idx.msk $0xffff, v16  }
0xc8: {  	v16 =	vld [tilespmem:s31+$0x50]  }
0xc9: {  	v17 =	vld [tilespmem:s31+$0x40]  }
0xca: {  	v18 =	vld [tilespmem:s30+$0x50]  }
0xcb: {  	v19 =	vld [tilespmem:s30+$0x40];
	_ =	sdelay $0x4  }
0xcc: {  	v16 =	vmul.f32 v16, v18;
	v17 =	vmul.f32 v17, v19;
	_ =	sdelay $0x1  }
0xcd: {  	v16 =	vadd.f32 v16, v17;
	_ =	sdelay $0x1  }
0xce: {  	[tilespmem:v10+s26+$0x0] =	vst.idx.msk $0xffff, v16  }
0xcf: {  	v16 =	vld [tilespmem:s31+$0x60]  }
0xd0: {  	v17 =	vld [tilespmem:s30+$0x70]  }
0xd1: {  	v18 =	vld [tilespmem:s30+$0x60]  }
0xd2: {  	v19 =	vld [tilespmem:s31+$0x70];
	_ =	sdelay $0x4  }
0xd3: {  	v16 =	vmul.f32 v16, v18;
	v17 =	vmul.f32 v19, v17;
	_ =	sdelay $0x1  }
0xd4: {  	v16 =	vadd.f32 v17, v16;
	_ =	sdelay $0x1  }
0xd5: {  	[tilespmem:v11+s26+$0x0] =	vst.idx.msk $0xffff, v16  }
0xd6: {  	v16 =	vld [tilespmem:s31+$0x90]  }
0xd7: {  	v17 =	vld [tilespmem:s30+$0x90]  }
0xd8: {  	v18 =	vld [tilespmem:s31+$0x80]  }
0xd9: {  	v19 =	vld [tilespmem:s30+$0x80];
	_ =	sdelay $0x4  }
0xda: {  	v16 =	vmul.f32 v16, v17;
	v17 =	vmul.f32 v18, v19;
	_ =	sdelay $0x1  }
0xdb: {  	v16 =	vadd.f32 v16, v17;
	_ =	sdelay $0x1  }
0xdc: {  	[tilespmem:v12+s26+$0x0] =	vst.idx.msk $0xffff, v16  }
0xdd: {  	v16 =	vld [tilespmem:s31+$0xB0]  }
0xde: {  	v17 =	vld [tilespmem:s30+$0xB0]  }
0xdf: {  	v18 =	vld [tilespmem:s30+$0xA0]  }
0xe0: {  	v19 =	vld [tilespmem:s31+$0xA0];
	_ =	sdelay $0x4  }
0xe1: {  	v16 =	vmul.f32 v16, v17;
	v17 =	vmul.f32 v19, v18;
	_ =	sdelay $0x1  }
0xe2: {  	v16 =	vadd.f32 v16, v17;
	_ =	sdelay $0x1  }
0xe3: {  	[tilespmem:v13+s26+$0x0] =	vst.idx.msk $0xffff, v16  }
0xe4: {  	v16 =	vld [tilespmem:s31+$0xC0]  }
0xe5: {  	v17 =	vld [tilespmem:s30+$0xD0]  }
0xe6: {  	v18 =	vld [tilespmem:s30+$0xC0]  }
0xe7: {  	v19 =	vld [tilespmem:s31+$0xD0];
	_ =	sdelay $0x4  }
0xe8: {  	v16 =	vmul.f32 v16, v18;
	v17 =	vmul.f32 v19, v17;
	_ =	sdelay $0x1  }
0xe9: {  	v16 =	vadd.f32 v17, v16;
	_ =	sdelay $0x1  }
0xea: {  	[tilespmem:v14+s26+$0x0] =	vst.idx.msk $0xffff, v16  }
0xeb: {  	v16 =	vld [tilespmem:s31+$0xE0]  }
0xec: {  	v17 =	vld [tilespmem:s31+$0xF0]  }
0xed: {  	v18 =	vld [tilespmem:s30+$0xF0]  }
0xee: {  	s0 =	simm.s32 $0x0;
	s2 =	simm.s32 $0x40;
	v19 =	vld [tilespmem:s30+$0xE0]  }
.LBB2_2:
0xef: {  	_ =	sdelay $0x2  }
0xf0: {  	p0 =	sne.s32 s2, $0x7C0;
	s30 =	sadd.s32 $0x200, s30;
	s31 =	sadd.s32 $0x200, s31  }
0xf1: {  	s7 =	smov.u32 s2;
	s2 =	sadd.s32 $0x40, s2;
	v17 =	vmul.f32 v17, v18;
	v16 =	vmul.f32 v16, v19;
	_ =	sdelay $0x1  }
0xf2: {  	v16 =	vadd.f32 v17, v16;
	_ =	sdelay $0x1  }
0xf3: {  	s28 =	sshra.s32 s0, $0x2;
	s0 =	smov.u32 s7;
	[tilespmem:v15+s26+$0x0] =	vst.idx.msk $0xffff, v16  }
0xf4: {  	v16 =	vld [tilespmem:s28+$0x8400]  }
0xf5: {  	v17 =	vld [tilespmem:s28+$0x8600]  }
0xf6: {  	v18 =	vld [tilespmem:$0x8800]  }
0xf7: {  	v19 =	vld [tilespmem:$0x8810]  }
0xf8: {  	v20 =	vld [tilespmem:$0x8820]  }
0xf9: {  	v21 =	vld [tilespmem:$0x8830]  }
0xfa: {  	v16 =	vadd.f32 v17, v16;
	v17 =	vld [tilespmem:$0x8840]  }
0xfb: {  	v22 =	vld [tilespmem:$0x8850]  }
0xfc: {  	v16 =	vadd.f32 v18, v16;
	v18 =	vld [tilespmem:$0x8860]  }
0xfd: {  	v23 =	vld [tilespmem:$0x8870]  }
0xfe: {  	v16 =	vadd.f32 v19, v16;
	v19 =	vld [tilespmem:$0x8880]  }
0xff: {  	v24 =	vld [tilespmem:$0x8890]  }
0x100: {  	v16 =	vadd.f32 v20, v16;
	v20 =	vld [tilespmem:$0x88A0]  }
0x101: {  	v25 =	vld [tilespmem:$0x88B0]  }
0x102: {  	v16 =	vadd.f32 v21, v16;
	v21 =	vld [tilespmem:$0x88C0]  }
0x103: {  	v26 =	vld [tilespmem:$0x88D0]  }
0x104: {  	v16 =	vadd.f32 v17, v16;
	v17 =	vld [tilespmem:$0x88E0]  }
0x105: {  	v27 =	vld [tilespmem:$0x88F0]  }
0x106: {  	v16 =	vadd.f32 v22, v16;
	_ =	sdelay $0x1  }
0x107: {  	v16 =	vadd.f32 v18, v16;
	_ =	sdelay $0x1  }
0x108: {  	v16 =	vadd.f32 v23, v16;
	_ =	sdelay $0x1  }
0x109: {  	v16 =	vadd.f32 v19, v16;
	_ =	sdelay $0x1  }
0x10a: {  	v16 =	vadd.f32 v24, v16;
	_ =	sdelay $0x1  }
0x10b: {  	v16 =	vadd.f32 v20, v16;
	_ =	sdelay $0x1  }
0x10c: {  	v16 =	vadd.f32 v25, v16;
	_ =	sdelay $0x1  }
0x10d: {  	v16 =	vadd.f32 v21, v16;
	_ =	sdelay $0x1  }
0x10e: {  	v16 =	vadd.f32 v26, v16;
	_ =	sdelay $0x1  }
0x10f: {  	v16 =	vadd.f32 v17, v16;
	_ =	sdelay $0x1  }
0x110: {  	v16 =	vadd.f32 v27, v16;
	_ =	sdelay $0x1  }
0x111: {  	[tilespmem:s28+$0x8900] =	vst v16  }
0x112: {  	v16 =	vld [tilespmem:s30+$0xFFFFFF00]  }
0x113: {  	v17 =	vld [tilespmem:s31+$0xFFFFFF10]  }
0x114: {  	v18 =	vld [tilespmem:s31+$0xFFFFFF00]  }
0x115: {  	v19 =	vld [tilespmem:s30+$0xFFFFFF10];
	_ =	sdelay $0x3  }
0x116: {  	v16 =	vmul.f32 v18, v16  }
0x117: {  	v17 =	vmul.f32 v17, v19;
	_ =	sdelay $0x1  }
0x118: {  	v16 =	vadd.f32 v17, v16;
	_ =	sdelay $0x1  }
0x119: {  	[tilespmem:v0+s26+$0x0] =	vst.idx.msk $0xffff, v16  }
0x11a: {  	v16 =	vld [tilespmem:s31+$0xFFFFFF30]  }
0x11b: {  	v17 =	vld [tilespmem:s31+$0xFFFFFF20]  }
0x11c: {  	v18 =	vld [tilespmem:s30+$0xFFFFFF30]  }
0x11d: {  	v19 =	vld [tilespmem:s30+$0xFFFFFF20];
	_ =	sdelay $0x3  }
0x11e: {  	v16 =	vmul.f32 v16, v18  }
0x11f: {  	v17 =	vmul.f32 v17, v19;
	_ =	sdelay $0x1  }
0x120: {  	v16 =	vadd.f32 v16, v17;
	_ =	sdelay $0x1  }
0x121: {  	[tilespmem:v1+s26+$0x0] =	vst.idx.msk $0xffff, v16  }
0x122: {  	v16 =	vld [tilespmem:s31+$0xFFFFFF40]  }
0x123: {  	v17 =	vld [tilespmem:s30+$0xFFFFFF50]  }
0x124: {  	v18 =	vld [tilespmem:s30+$0xFFFFFF40]  }
0x125: {  	v19 =	vld [tilespmem:s31+$0xFFFFFF50];
	_ =	sdelay $0x3  }
0x126: {  	v16 =	vmul.f32 v16, v18  }
0x127: {  	v17 =	vmul.f32 v19, v17;
	_ =	sdelay $0x1  }
0x128: {  	v16 =	vadd.f32 v17, v16;
	_ =	sdelay $0x1  }
0x129: {  	[tilespmem:v2+s26+$0x0] =	vst.idx.msk $0xffff, v16  }
0x12a: {  	v16 =	vld [tilespmem:s31+$0xFFFFFF60]  }
0x12b: {  	v17 =	vld [tilespmem:s30+$0xFFFFFF70]  }
0x12c: {  	v18 =	vld [tilespmem:s30+$0xFFFFFF60]  }
0x12d: {  	v19 =	vld [tilespmem:s31+$0xFFFFFF70];
	_ =	sdelay $0x3  }
0x12e: {  	v16 =	vmul.f32 v16, v18  }
0x12f: {  	v17 =	vmul.f32 v19, v17;
	_ =	sdelay $0x1  }
0x130: {  	v16 =	vadd.f32 v17, v16;
	_ =	sdelay $0x1  }
0x131: {  	[tilespmem:v3+s26+$0x0] =	vst.idx.msk $0xffff, v16  }
0x132: {  	v16 =	vld [tilespmem:s31+$0xFFFFFF80]  }
0x133: {  	v17 =	vld [tilespmem:s30+$0xFFFFFF90]  }
0x134: {  	v18 =	vld [tilespmem:s30+$0xFFFFFF80]  }
0x135: {  	v19 =	vld [tilespmem:s31+$0xFFFFFF90];
	_ =	sdelay $0x3  }
0x136: {  	v16 =	vmul.f32 v16, v18  }
0x137: {  	v17 =	vmul.f32 v19, v17;
	_ =	sdelay $0x1  }
0x138: {  	v16 =	vadd.f32 v17, v16;
	_ =	sdelay $0x1  }
0x139: {  	[tilespmem:v4+s26+$0x0] =	vst.idx.msk $0xffff, v16  }
0x13a: {  	v16 =	vld [tilespmem:s31+$0xFFFFFFA0]  }
0x13b: {  	v17 =	vld [tilespmem:s30+$0xFFFFFFB0]  }
0x13c: {  	v18 =	vld [tilespmem:s30+$0xFFFFFFA0]  }
0x13d: {  	v19 =	vld [tilespmem:s31+$0xFFFFFFB0];
	_ =	sdelay $0x3  }
0x13e: {  	v16 =	vmul.f32 v16, v18  }
0x13f: {  	v17 =	vmul.f32 v19, v17;
	_ =	sdelay $0x1  }
0x140: {  	v16 =	vadd.f32 v17, v16;
	_ =	sdelay $0x1  }
0x141: {  	[tilespmem:v5+s26+$0x0] =	vst.idx.msk $0xffff, v16  }
0x142: {  	v16 =	vld [tilespmem:s31+$0xFFFFFFD0]  }
0x143: {  	v17 =	vld [tilespmem:s30+$0xFFFFFFD0]  }
0x144: {  	v18 =	vld [tilespmem:s30+$0xFFFFFFC0]  }
0x145: {  	v19 =	vld [tilespmem:s31+$0xFFFFFFC0];
	_ =	sdelay $0x2  }
0x146: {  	v16 =	vmul.f32 v16, v17;
	_ =	sdelay $0x1  }
0x147: {  	v17 =	vmul.f32 v19, v18;
	_ =	sdelay $0x1  }
0x148: {  	v16 =	vadd.f32 v16, v17;
	_ =	sdelay $0x1  }
0x149: {  	[tilespmem:v6+s26+$0x0] =	vst.idx.msk $0xffff, v16  }
0x14a: {  	v16 =	vld [tilespmem:s31+$0xFFFFFFE0]  }
0x14b: {  	v17 =	vld [tilespmem:s30+$0xFFFFFFF0]  }
0x14c: {  	v18 =	vld [tilespmem:s30+$0xFFFFFFE0]  }
0x14d: {  	v19 =	vld [tilespmem:s31+$0xFFFFFFF0];
	_ =	sdelay $0x3  }
0x14e: {  	v16 =	vmul.f32 v16, v18  }
0x14f: {  	v17 =	vmul.f32 v19, v17;
	_ =	sdelay $0x1  }
0x150: {  	v16 =	vadd.f32 v17, v16;
	_ =	sdelay $0x1  }
0x151: {  	[tilespmem:v7+s26+$0x0] =	vst.idx.msk $0xffff, v16  }
0x152: {  	v16 =	vld [tilespmem:s31+$0x0]  }
0x153: {  	v17 =	vld [tilespmem:s30+$0x10]  }
0x154: {  	v18 =	vld [tilespmem:s30+$0x0]  }
0x155: {  	v19 =	vld [tilespmem:s31+$0x10];
	_ =	sdelay $0x3  }
0x156: {  	v16 =	vmul.f32 v16, v18  }
0x157: {  	v17 =	vmul.f32 v19, v17;
	_ =	sdelay $0x1  }
0x158: {  	v16 =	vadd.f32 v17, v16;
	_ =	sdelay $0x1  }
0x159: {  	[tilespmem:v8+s26+$0x0] =	vst.idx.msk $0xffff, v16  }
0x15a: {  	v16 =	vld [tilespmem:s31+$0x20]  }
0x15b: {  	v17 =	vld [tilespmem:s30+$0x30]  }
0x15c: {  	v18 =	vld [tilespmem:s30+$0x20]  }
0x15d: {  	v19 =	vld [tilespmem:s31+$0x30];
	_ =	sdelay $0x3  }
0x15e: {  	v16 =	vmul.f32 v16, v18  }
0x15f: {  	v17 =	vmul.f32 v19, v17;
	_ =	sdelay $0x1  }
0x160: {  	v16 =	vadd.f32 v17, v16;
	_ =	sdelay $0x1  }
0x161: {  	[tilespmem:v9+s26+$0x0] =	vst.idx.msk $0xffff, v16  }
0x162: {  	v16 =	vld [tilespmem:s31+$0x50]  }
0x163: {  	v17 =	vld [tilespmem:s31+$0x40]  }
0x164: {  	v18 =	vld [tilespmem:s30+$0x50]  }
0x165: {  	v19 =	vld [tilespmem:s30+$0x40];
	_ =	sdelay $0x3  }
0x166: {  	v16 =	vmul.f32 v16, v18  }
0x167: {  	v17 =	vmul.f32 v17, v19;
	_ =	sdelay $0x1  }
0x168: {  	v16 =	vadd.f32 v16, v17;
	_ =	sdelay $0x1  }
0x169: {  	[tilespmem:v10+s26+$0x0] =	vst.idx.msk $0xffff, v16  }
0x16a: {  	v16 =	vld [tilespmem:s31+$0x60]  }
0x16b: {  	v17 =	vld [tilespmem:s30+$0x70]  }
0x16c: {  	v18 =	vld [tilespmem:s30+$0x60]  }
0x16d: {  	v19 =	vld [tilespmem:s31+$0x70];
	_ =	sdelay $0x3  }
0x16e: {  	v16 =	vmul.f32 v16, v18  }
0x16f: {  	v17 =	vmul.f32 v19, v17;
	_ =	sdelay $0x1  }
0x170: {  	v16 =	vadd.f32 v17, v16;
	_ =	sdelay $0x1  }
0x171: {  	[tilespmem:v11+s26+$0x0] =	vst.idx.msk $0xffff, v16  }
0x172: {  	v16 =	vld [tilespmem:s31+$0x90]  }
0x173: {  	v17 =	vld [tilespmem:s30+$0x90]  }
0x174: {  	v18 =	vld [tilespmem:s31+$0x80]  }
0x175: {  	v19 =	vld [tilespmem:s30+$0x80];
	_ =	sdelay $0x3  }
0x176: {  	v16 =	vmul.f32 v16, v17  }
0x177: {  	v17 =	vmul.f32 v18, v19;
	_ =	sdelay $0x1  }
0x178: {  	v16 =	vadd.f32 v16, v17;
	_ =	sdelay $0x1  }
0x179: {  	[tilespmem:v12+s26+$0x0] =	vst.idx.msk $0xffff, v16  }
0x17a: {  	v16 =	vld [tilespmem:s31+$0xB0]  }
0x17b: {  	v17 =	vld [tilespmem:s30+$0xB0]  }
0x17c: {  	v18 =	vld [tilespmem:s30+$0xA0]  }
0x17d: {  	v19 =	vld [tilespmem:s31+$0xA0];
	_ =	sdelay $0x2  }
0x17e: {  	v16 =	vmul.f32 v16, v17;
	_ =	sdelay $0x1  }
0x17f: {  	v17 =	vmul.f32 v19, v18;
	_ =	sdelay $0x1  }
0x180: {  	v16 =	vadd.f32 v16, v17;
	_ =	sdelay $0x1  }
0x181: {  	[tilespmem:v13+s26+$0x0] =	vst.idx.msk $0xffff, v16  }
0x182: {  	v16 =	vld [tilespmem:s31+$0xC0]  }
0x183: {  	v17 =	vld [tilespmem:s30+$0xD0]  }
0x184: {  	v18 =	vld [tilespmem:s30+$0xC0]  }
0x185: {  	v19 =	vld [tilespmem:s31+$0xD0];
	_ =	sdelay $0x3  }
0x186: {  	v16 =	vmul.f32 v16, v18  }
0x187: {  	v17 =	vmul.f32 v19, v17;
	_ =	sdelay $0x1  }
0x188: {  	v16 =	vadd.f32 v17, v16;
	_ =	sdelay $0x1  }
.Ltmp0:
0x189: {  	[tilespmem:v14+s26+$0x0] =	vst.idx.msk $0xffff, v16;
	(pc) =	sbr.rel @p0 .LBB2_2-.Ltmp0, $4  }
0x18a: {  	v16 =	vld [tilespmem:s31+$0xE0]  }
0x18b: {  	v17 =	vld [tilespmem:s31+$0xF0]  }
0x18c: {  	v18 =	vld [tilespmem:s30+$0xF0]  }
0x18d: {  	v19 =	vld [tilespmem:s30+$0xE0]  }
0x18e: {  	_ =	sdelay $0x3  }
0x18f: {  	v17 =	vmul.f32 v17, v18;
	v16 =	vmul.f32 v16, v19;
	_ =	sdelay $0x1  }
0x190: {  	v16 =	vadd.f32 v17, v16;
	_ =	sdelay $0x1  }
0x191: {  	s0 =	sshra.s32 s0, $0x2;
	[tilespmem:v15+s26+$0x0] =	vst.idx.msk $0xffff, v16  }
0x192: {  	v16 =	vld [tilespmem:s0+$0x8400]  }
0x193: {  	v17 =	vld [tilespmem:s0+$0x8600];
	_ =	sdelay $0x1  }
0x194: {  	v53 =	vld [tilespmem:$0x8800];
	_ =	sdelay $0x1  }
0x195: {  	v54 =	vld [tilespmem:$0x8810]  }
0x196: {  	v16 =	vadd.f32 v17, v16  }
0x197: {  	v17 =	vld [tilespmem:$0x8820]  }
0x198: {  	v16 =	vadd.f32 v53, v16  }
0x199: {  	v55 =	vld [tilespmem:$0x8830]  }
0x19a: {  	v16 =	vadd.f32 v54, v16  }
0x19b: {  	v56 =	vld [tilespmem:$0x8840]  }
0x19c: {  	v16 =	vadd.f32 v17, v16  }
0x19d: {  	v17 =	vld [tilespmem:$0x8850]  }
0x19e: {  	v16 =	vadd.f32 v55, v16  }
0x19f: {  	v57 =	vld [tilespmem:$0x8860]  }
0x1a0: {  	v16 =	vadd.f32 v56, v16  }
0x1a1: {  	v58 =	vld [tilespmem:$0x8870]  }
0x1a2: {  	v16 =	vadd.f32 v17, v16  }
0x1a3: {  	v17 =	vld [tilespmem:$0x8880]  }
0x1a4: {  	v16 =	vadd.f32 v57, v16  }
0x1a5: {  	v59 =	vld [tilespmem:$0x8890]  }
0x1a6: {  	v16 =	vadd.f32 v58, v16  }
0x1a7: {  	v60 =	vld [tilespmem:$0x88A0]  }
0x1a8: {  	v16 =	vadd.f32 v17, v16  }
0x1a9: {  	v17 =	vld [tilespmem:$0x88B0]  }
0x1aa: {  	v16 =	vadd.f32 v59, v16  }
0x1ab: {  	v61 =	vld [tilespmem:$0x88C0]  }
0x1ac: {  	v16 =	vadd.f32 v60, v16  }
0x1ad: {  	v62 =	vld [tilespmem:$0x88D0]  }
0x1ae: {  	v16 =	vadd.f32 v17, v16  }
0x1af: {  	v17 =	vld [tilespmem:$0x88E0]  }
0x1b0: {  	v16 =	vadd.f32 v61, v16  }
0x1b1: {  	v63 =	vld [tilespmem:$0x88F0]  }
0x1b2: {  	v16 =	vadd.f32 v62, v16;
	_ =	sdelay $0x1  }
0x1b3: {  	v16 =	vadd.f32 v17, v16;
	_ =	sdelay $0x1  }
0x1b4: {  	s29 =	sadd.s32 $0x1, s29;
	v16 =	vadd.f32 v63, v16  }
0x1b5: {  	p0 =	sne.s32 s29, s16  }
.Ltmp1:
0x1b6: {  	s31 =	simm.s32 $0x8900;
	[tilespmem:s0+$0x8900] =	vst v16;
	(pc) =	sbr.rel @p0 .LBB2_1-.Ltmp1, $4  }
0x1b7: {  	[hbm4b:s15+s1] =	stream.linear.scatter [tilespmem:s31], [sflag:$0x2], $0x200, $0x38;
	[tilespmem:$0x8B00] =	vst v63  }
0x1b8: {  	_ =	swait.ge [sflag:s17], $0x200  }
0x1b9: {  	[sflag:s17] =	ssyncset.done $0x0  }
0x1ba: {  	[sflag:s17] =	ssyncadd.s32 $0xFFFFFE00  }
0x1bb: {  	_ =	sfence.sel $0x180000  }
0x1bc: {  	[bflag:$0x0] =	sbarrier.arrive $0xFFFF  }
0x1bd: {  	_ =	strace $0x9000004D  }
0x1be: {  	s0 =	stileid.u32;
	[bflag:$0x2] =	sbarrier.arrive $0xFFFF  }
0x1bf: {  	p0 =	sne.s32 s0, $0x0;
	s0 =	rddreg [dreg:$0x4]  }
0x1c0: {  	s0 =	sadd.s32 @!p0 $0x100000, s0  }
0x1c1: {  	[sflag:s0] =	ssyncadd.tile.s32 @!p0 $0x1;
	_ =	shalt  }
.Lfunc_end2:
_tile_overlayer_lowered:
.L_overlay_start_2:
0x1c2: {  	(tag) =	ssettag $0x2  }
0x1c3: {  	s0 =	rddreg [dreg:$0x0];
	s2 =	stileid.u32  }
0x1c4: {  	s1 =	rddreg [dreg:$0x1];
	p0 =	sne.s32 s2, $0x0  }
0x1c5: {  	s3 =	rddreg [dreg:$0x2];
	[bflag:$0x3] =	sbarrier.arrive $0xFFFF;
	s2 =	simm.s32 @!p0 $0x1C02  }
0x1c6: {  	[timem:s3], [sflag:s2] =	dma.local @!p0 [hbm:s0], s1  }
0x1c7: {  	s0 =	simm.s32 @!p0 $0x2  }
0x1c8: {  	_ =	swait.ge @!p0 [sflag:s0], s1  }
0x1c9: {  	s1 =	ssub.s32 @!p0 $0x0, s1;
	[sflag:s0] =	ssyncset.done @!p0 $0x0  }
0x1ca: {  	[sflag:s0] =	ssyncadd.s32 @!p0 s1  }
0x1cb: {  	[bflag:$0x3] =	sbarrier.arrive $0xFFFF  }
0x1cc: {  	_ =	shalt  }

// kernel: sparse-core-data-format-call.1.cloned.1.call-start
scs
called_computation.1_lowered:
.L_overlay_start_0:
0x0: {  	s2 =	sld [smem:$0x3FD9]  }
0x1: {  	s3 =	sld [smem:$0x3FFE];
	_ =	sdelay $0x1  }
0x2: {  	s1 =	srdreg.scid  }
0x3: {  	s0 =	sand.u32 $0x1, s1  }
0x4: {  	s18 =	sshll.u32 s0, $0xA;
	s2 =	sadd.s32 s3, s2  }
0x5: {  	s2 =	sadd.s32 s2, s18  }
0x6: {  	[smem:$0x3FC2] =	sst s2  }
0x7: {  	_ = 	snop  }
0x8: {  	(tm) =	ssettm $0x1  }
0x9: {  	s19 =	sld [smem:$0x3FFB];
	_ =	sdelay $0x3  }
0xa: {  	_ =	strace s19  }
0xb: {  	s2 =	sld [smem:$0x3FFC];
	_ =	sdelay $0x3  }
0xc: {  	_ =	strace s2  }
0xd: {  	s2 =	sld [smem:$0x3FFD];
	_ =	sdelay $0x3  }
0xe: {  	_ =	strace s2  }
0xf: {  	_ =	strace $0x8FFFFFFF  }
0x10: {  	s20 =	sld [smem:$0x3FDB];
	_ =	sdelay $0x1  }
0x11: {  	s21 =	simm.s32 $_scs_section_size  }
0x12: {  	s4 =	simm.s32 $_size__tile_overlayer_lowered;
	s5 =	simm.s32 $_tile_overlayer_lowered  }
0x13: {  	s6 =	simm.s32 $0x1BFF;
	s22 =	sshll.u32 s5, $0x1;
	s3 =	sadd.s32 s21, s20  }
0x14: {  	s23 =	simm.s32 $0x0;
	s4 =	sshll.u32 s4, $0x1;
	s5 =	sadd.s32 s22, s3  }
0x15: {  	[timem:s23], [sflag:s6] =	dma.local [hbm:s5], s4  }
0x16: {  	_ =	swait.ge [sflag:s6], s4  }
0x17: {  	s4 =	ssub.s32 $0x0, s4;
	[sflag:s6] =	ssyncset.done $0x0  }
0x18: {  	[sflag:s6] =	ssyncadd.s32 s4;
	_ =	sdelay $0x1  }
0x19: {  	s24 =	simm.s32 $0x1B8B  }
0x1a: {  	_ =	swait.ge [sflag:s24], $0x1  }
0x1b: {  	[sflag:s24] =	ssyncset.done $0x0  }
0x1c: {  	[sflag:s24] =	ssyncadd.s32 $0xFFFFFFFF  }
0x1d: {  	s4 =	sld [smem:$0x0]  }
0x1e: {  	s5 =	sand.u32 $0xFFFFFFFE, s1  }
0x1f: {  	p0 =	sne.s32 s1, s5  }
0x20: {  	s5 =	sshll.u32 @p0 s5, $0xE  }
0x21: {  	s5 =	sadd.s32 @p0 $0x11B8D, s5;
	s6 =	sshll.u32 @p0 s4, $0x11  }
0x22: {  	s5 =	sor.u32 @p0 s6, s5  }
0x23: {  	[sflag:s5] =	ssyncadd.remote.s32 @p0 $0x1;
	_ =	sdelay $0x1  }
0x24: {  	s5 =	simm.s32 @p0 $0x1B8D  }
0x25: {  	_ =	swait.eq @p0 [sflag:s5], $0x1  }
0x26: {  	[sflag:s5] =	ssyncadd.s32 @p0 $0xFFFFFFFF  }
0x27: {  	s6 =	sshll.u32 @!p0 s1, $0xE  }
0x28: {  	s6 =	sor.u32 @!p0 $0x4000, s6;
	s5 =	simm.s32 @!p0 $0x1B8D  }
0x29: {  	s4 =	sshll.u32 @!p0 s4, $0x11;
	s6 =	sadd.s32 @!p0 $0x11B8D, s6;
	_ =	swait.eq @!p0 [sflag:s5], $0x1  }
0x2a: {  	s4 =	sor.u32 @!p0 s4, s6;
	[sflag:s5] =	ssyncadd.s32 @!p0 $0xFFFFFFFF  }
0x2b: {  	s26 =	simm.s32 $0x1B8E;
	s25 =	sld [smem:$0x3FFE];
	[sflag:s4] =	ssyncadd.remote.s32 @!p0 $0x1  }
0x2c: {  	s27 =	simm.s32 $execute0_lowered;
	[smem:$0x3FD2] =	sst s26  }
0x2d: {  	s5 =	sshll.u32 s27, $0x1;
	_ =	strace $0x80000049;
	[dreg:$0x1] =	wrdreg $0xFFFFFFFF  }
0x2e: {  	s28 =	simm.s32 $_size_execute0_lowered;
	s3 =	sadd.s32 s3, s5;
	[dreg:$0x0] =	wrdreg $0x0  }
0x2f: {  	s5 =	sshll.u32 s28, $0x1;
	[dreg:$0x2] =	wrdreg s3  }
0x30: {  	[dreg:$0x3] =	wrdreg s5  }
0x31: {  	[dreg:$0x4] =	wrdreg $0xC0  }
0x32: {  	_ =	task [dreg:s23], $0x5FFFF  }
0x33: {  	[dreg:$0x1] =	wrdreg $0xFFFFFFFF  }
0x34: {  	[dreg:$0x0] =	wrdreg $0x60  }
0x35: {  	[dreg:$0x2] =	wrdreg s25  }
0x36: {  	[dreg:$0x3] =	wrdreg $0xA  }
0x37: {  	_ =	task.clear_ibuf [dreg:s23], $0x4FFFF;
	_ =	strace $0x90000049  }
0x38: {  	s29 =	simm.s32 $0xA;
	_ =	strace $0x8000004B  }
0x39: {  	_ =	swait.ge [sflag:s29], $0x1  }
0x3a: {  	[sflag:s29] =	ssyncadd.s32 $0xFFFFFFFF  }
0x3b: {  	_ =	strace $0x9000004B  }
0x3c: {  	_ =	sfence  }
0x3d: {  	s30 =	sld [smem:$0x0];
	_ =	sdelay $0x2  }
0x3e: {  	s31 =	sshll.u32 s1, $0xD;
	s1 =	sshrl.u32 s1, $0x2  }
0x3f: {  	s4 =	sand.u32 $0x4000, s31;
	s1 =	sadd.s32 s1, s30  }
0x40: {  	s0 =	sor.u32 s4, s0;
	s1 =	sshll.u32 s1, $0x11  }
0x41: {  	s0 =	sor.u32 s1, s0  }
0x42: {  	s0 =	sadd.s32 $0x8F2B, s0  }
0x43: {  	[sflag:s0] =	ssyncadd.remote.s32 $0x1  }
0x44: {  	_ =	sfence.sel $0xFFFF  }
0x45: {  	[dreg:$0x0] =	wrdreg $0xFFFFFFFF;
	(pc) =	sbr.abs _section_cstart, $3  }
0x46: {  	[dreg:$0x1] =	wrdreg $0xFFFFFFFF  }
0x47: {  	_ =	task.clear_ibuf [dreg:s23], $0x2FFFF;
	_ =	strace $0x9FFFFFFF  }
0x48: {  	(tm) =	ssettm $0x7FFFFFFF  }
0x49: {  	_ =	shalt  }
tec
execute0_lowered:
.L_overlay_start_1:
0x0: {  	(tag) =	ssettag $0x1  }
0x1: {  	s0 =	srdreg.scid  }
0x2: {  	s5 =	rddreg [dreg:$0x0];
	s1 =	stileid.u32;
	s4 =	simm.s32 $0x1  }
0x3: {  	s6 =	simm.s32 $0x2;
	s15 =	simm.s32 $0x0;
	p0 =	por $0x0, $0x0  }
0x4: {  	s8 =	simm.s32 $0x80;
	s14 =	simm.s32 $0x0;
	s2 =	sshll.u32 s0, $0x4  }
0x5: {  	s9 =	simm.s32 $0x0;
	s10 =	simm.s32 $0x0;
	s2 =	sand.u32 $0x10, s2  }
.Ltmp0:
0x6: {  	s12 =	simm.s32 $0x0;
	s3 =	sor.u32 s1, s2;
	(pc) =	sbr.rel .LBB1_1-.Ltmp0, $4  }
0x7: {  	s0 =	rddreg [dreg:$0x1];
	_ =	strace $0x8000004A;
	s3 =	sshll.u32 s3, $0x7  }
0x8: {  	s13 =	simm.s32 $0x0;
	[sflag:s4] =	ssyncpa.u1 $0x0;
	s7 =	ssub.s32 $0xF4200, s3  }
0x9: {  	s2 =	sadd.s32 $0x1313600, s5;
	[sflag:s6] =	ssyncpa.u1 $0x0;
	s6 =	sshrl.u32 s7, $0xC  }
0xa: {  	s5 =	sadd.s32 $0x16E4000, s5;
	s11 =	smov.u32 s3;
	s7 =	sadd.s32 $0x2, s6  }
.LBB1_5:
0xb: {  	p1 =	slt.u32 s13, $0x2  }
0xc: {  	s17 =	smov.u32 s15;
	p2 =	sgt.s32 @!p1 s15, $0xF41C8;
	s16 =	sshra.s32 @!p1 s15, $0x1F  }
0xd: {  	p3 =	sgt.s32 @!p1 s14, $0x60;
	s18 =	sshra.s32 @!p1 s14, $0x1F;
	p2 =	por !p2, p1  }
0xe: {  	s15 =	sand.u32 @!p1 s16, s15;
	p3 =	por !p3, p1;
	s16 =	smov.u32 s14  }
0xf: {  	s14 =	sand.u32 @!p1 s18, s14;
	s17 =	simm.s32 @p2 $0xF41C8;
	s16 =	simm.s32 @p3 $0x60  }
0x10: {  	s15 =	ssub.s32 @!p1 s17, s15;
	s14 =	ssub.s32 @!p1 s16, s14  }
0x11: {  	s18 =	smov.u32 s12;
	s16 =	sadd.s32 @!p1 $0xFFF0BE38, s15;
	s17 =	sadd.s32 @!p1 $0xFFFFFFA0, s14  }
0x12: {  	s15 =	ssub.s32 @!p1 $0xF4248, s15;
	p2 =	sgt.s32 @!p1 s16, $0x7F;
	p3 =	sgt.s32 @!p1 s17, $0x1F  }
0x13: {  	s14 =	ssub.s32 @!p1 $0x80, s14;
	p2 =	por !p2, p1;
	p3 =	por !p3, p1  }
0x14: {  	s16 =	sadd.s32 $0x1000, s11;
	s15 =	simm.s32 @!p2 $0x0;
	s14 =	simm.s32 @!p3 $0x0  }
0x15: {  	p2 =	sgt.s32 s16, $0xF4240;
	s14 =	smul.u32 @!p1 s14, s15;
	s15 =	sadd.s32 $0x20, s12  }
0x16: {  	s18 =	smov.u32 @p2 s15  }
0x17: {  	s16 =	smov.u32 @p2 s3;
	p2 =	sgt.s32 s18, $0x1F  }
0x18: {  	s18 =	simm.s32 @p2 $0x0;
	p2 =	sne.s32 s13, s7  }
.Ltmp1:
0x19: {  	p0 =	por !p0, !p0;
	s17 =	simm.s32 @!p1 $0x2;
	(pc) =	sbr.rel @!p2 .LBB1_6-.Ltmp1, $4  }
0x1a: {  	s15 =	smov.u32 s9;
	s9 =	smov.u32 s11;
	s14 =	sand.u32 @!p1 $0x3FFFFFFF, s14  }
0x1b: {  	s11 =	smov.u32 s16;
	_ =	swait.ge @!p1 [sflag:s17], s14;
	s19 =	ssub.s32 @!p1 $0x0, s14  }
0x1c: {  	s14 =	smov.u32 s10;
	s13 =	sadd.s32 $0x1, s13;
	[sflag:s17] =	ssyncset.done @!p1 $0x0  }
0x1d: {  	s10 =	smov.u32 s12;
	s12 =	smov.u32 s18;
	[sflag:s17] =	ssyncadd.s32 @!p1 s19  }
.LBB1_1:
0x1e: {  	p1 =	sgt.u32 s13, s6  }
0x1f: {  	s16 =	sshrl.u32 @!p1 s12, $0x3  }
0x20: {  	s17 =	sshll.u32 @!p1 s11, $0x3;
	s16 =	smul.u32 @!p1 $0x7A1400, s16  }
0x21: {  	s18 =	sshll.u32 @!p1 s12, $0x7;
	s17 =	sand.u32 @!p1 $0xFFFFFC00, s17  }
0x22: {  	s16 =	sadd.s32 @!p1 s16, s17;
	s17 =	sand.u32 @!p1 $0x380, s18  }
0x23: {  	s18 =	sand.u32 @!p1 $0x7F, s11;
	s16 =	sor.u32 @!p1 s17, s16  }
0x24: {  	s17 =	sor.u32 @!p1 s18, s16  }
0x25: {  	s18 =	smulhi.u32 @!p1 $0x218D6287, s17;
	_ =	sdelay $0x1  }
0x26: {  	s16 =	smulhi.u32 @!p1 $0x218D6287, s16;
	s18 =	sshrl.u32 @!p1 s18, $0x11  }
0x27: {  	s18 =	smul.u32 @!p1 $0xF4280, s18  }
0x28: {  	s19 =	sxor.u32 @!p1 $0xFFFFFFFF, s13;
	s16 =	sshrl.u32 @!p1 s16, $0x11  }
0x29: {  	s19 =	sshll.u32 @!p1 s19, $0xC;
	s16 =	sand.u32 @!p1 $0x1F, s16;
	s17 =	ssub.s32 @!p1 s17, s18  }
0x2a: {  	s16 =	smul.u32 @!p1 $0x1E850, s16;
	s18 =	sshrl.u32 @!p1 s17, $0x3;
	s17 =	sand.u32 @!p1 $0x7, s17  }
0x2b: {  	s19 =	sand.u32 @!p1 $0x1000, s19;
	s18 =	sadd.s32 @!p1 s2, s18;
	s17 =	sshll.u32 @!p1 s17, $0x12  }
0x2c: {  	s16 =	sadd.s32 @!p1 s16, s18;
	s17 =	sor.u32 @!p1 $0x400, s17;
	s18 =	simm.s32 @!p1 $0x7A1400  }
0x2d: {  	[tilespmem:s19], [sflag:$0x1] =	stream.strided.gather @!p1 [hbm4b:s16+s17], $0x1000, s18, s17, $0x38;
	[tilespmem:$0x4100] =	vst v63  }
0x2e: {  	p1 =	seq.s32 s13, $0x0  }
0x2f: {  	p2 =	sge.u32 @!p1 s13, s7  }
0x30: {  	p1 =	por p1, p2  }
.Ltmp2:
0x31: {  	_ = 	snop;
	(pc) =	sbr.rel @p1 .LBB1_5-.Ltmp2, $1  }
0x32: {  	_ =	sdelay $0x3  }
0x33: {  	s16 =	simm.s32 $0x1  }
0x34: {  	_ =	swait.ge [sflag:s4], $0x1000;
	s16 =	simm.s32 @!p0 $0x0  }
0x35: {  	[sflag:s4] =	ssyncset.done $0x0;
	s17 =	sshll.u32 s16, $0xC  }
0x36: {  	[sflag:s4] =	ssyncadd.s32 $0xFFFFF000;
	s17 =	sor.u32 $0x40, s17  }
0x37: {  	s16 =	smul.u32 $0x4200, s16;
	v0 =	vld [tilespmem:s17+$0x30]  }
0x38: {  	v1 =	vld [tilespmem:s17+$0xFFFFFFD0]  }
0x39: {  	s16 =	sshrl.u32 s16, $0x2;
	v5 =	vld [tilespmem:s17+$0xFFFFFFE0]  }
0x3a: {  	v6 =	vld [tilespmem:s17+$0xFFFFFFF0];
	s19 =	sor.u32 $0x2000, s16  }
0x3b: {  	s31 =	sand.u32 $0x1, s13;
	v4 =	vld [tilespmem:s17+$0x0];
	s18 =	sadd.s32 $0x0, s19  }
0x3c: {  	v3 =	vld [tilespmem:s17+$0x10];
	s16 =	smul.u32 $0x4200, s31;
	[tilespmem:s18+$0xE70 ss:$0x21] =	vst.msk $0xffff, v0  }
0x3d: {  	v2 =	vld [tilespmem:s17+$0x20];
	[tilespmem:s18+$0x210 ss:$0x21] =	vst.msk $0xffff, v1  }
0x3e: {  	s16 =	sshrl.u32 s16, $0x2;
	v1 =	vld [tilespmem:s17+$0xFFFFFFC0];
	[tilespmem:s18+$0x420 ss:$0x21] =	vst.msk $0xffff, v5;
	s17 =	sadd.s32 $0x80, s17  }
0x3f: {  	s20 =	simm.s32 $0x4;
	s21 =	simm.s32 $0x8;
	s16 =	sor.u32 $0x2000, s16;
	[tilespmem:s18+$0x630 ss:$0x21] =	vst.msk $0xffff, v6;
	v0 =	vld [tilespmem:s17+$0x30]  }
.LBB1_3:
0x40: {  	p1 =	sne.s32 s21, $0x7C;
	v5 =	vld [tilespmem:s17+$0xFFFFFFD0];
	[tilespmem:s18+$0x840 ss:$0x21] =	vst.msk $0xffff, v4  }
0x41: {  	v6 =	vld [tilespmem:s17+$0xFFFFFFE0];
	[tilespmem:s18+$0xA50 ss:$0x21] =	vst.msk $0xffff, v3  }
0x42: {  	s22 =	sshra.s32 s20, $0x2;
	s20 =	smov.u32 s21;
	v7 =	vld [tilespmem:s17+$0xFFFFFFF0];
	[tilespmem:s18+$0xC60 ss:$0x21] =	vst.msk $0xffff, v2  }
.Ltmp3:
0x43: {  	v4 =	vld [tilespmem:s17+$0x0];
	[tilespmem:s18+$0x0 ss:$0x21] =	vst.msk $0xffff, v1;
	s18 =	sadd.s32 s22, s19;
	(pc) =	sbr.rel @p1 .LBB1_3-.Ltmp3, $4  }
0x44: {  	v3 =	vld [tilespmem:s17+$0x10];
	[tilespmem:s18+$0xE70 ss:$0x21] =	vst.msk $0xffff, v0  }
0x45: {  	[tilespmem:s18+$0x210 ss:$0x21] =	vst.msk $0xffff, v5;
	v2 =	vld [tilespmem:s17+$0x20]  }
0x46: {  	v1 =	vld [tilespmem:s17+$0xFFFFFFC0];
	[tilespmem:s18+$0x420 ss:$0x21] =	vst.msk $0xffff, v6;
	s17 =	sadd.s32 $0x80, s17  }
0x47: {  	s21 =	sadd.s32 $0x4, s21;
	v0 =	vld [tilespmem:s17+$0x30];
	[tilespmem:s18+$0x630 ss:$0x21] =	vst.msk $0xffff, v7  }
0x48: {  	s21 =	sshll.u32 s9, $0x7;
	s22 =	sshll.u32 s10, $0x3;
	s20 =	sshra.s32 s20, $0x2  }
0x49: {  	p1 =	sgt.s32 s9, $0xF41C8;
	s30 =	sshra.s32 s9, $0x1F;
	s25 =	sshra.s32 s10, $0x1F  }
0x4a: {  	v5 =	vld [tilespmem:s17+$0xFFFFFFD0];
	s28 =	sshrl.u32 s10, $0x3;
	s23 =	sand.u32 $0xFFFFFC00, s21;
	s22 =	sand.u32 $0xFFFFFC00, s22  }
0x4b: {  	[tilespmem:s18+$0x840 ss:$0x21] =	vst.msk $0xffff, v4;
	v58 =	vld [tilespmem:s17+$0xFFFFFFE0];
	s21 =	sand.u32 $0x380, s21;
	s19 =	sadd.s32 s20, s19;
	s22 =	sadd.s32 s22, s23  }
0x4c: {  	v59 =	vld [tilespmem:s17+$0xFFFFFFF0];
	[tilespmem:s18+$0xA50 ss:$0x21] =	vst.msk $0xffff, v3;
	s29 =	sor.u32 s21, s22;
	s21 =	smov.u32 s9;
	s22 =	sand.u32 s30, s9  }
0x4d: {  	v60 =	vld [tilespmem:s17+$0x0];
	[tilespmem:s18+$0xC60 ss:$0x21] =	vst.msk $0xffff, v2;
	s30 =	sand.u32 $0x7, s10;
	s20 =	sshrl.u32 s29, $0x7;
	s21 =	simm.s32 @!p1 $0xF41C8  }
0x4e: {  	v61 =	vld [tilespmem:s17+$0x10];
	[tilespmem:s18+$0x0 ss:$0x21] =	vst.msk $0xffff, v1;
	p1 =	sgt.s32 s10, $0x60;
	s24 =	ssub.s32 s21, s22;
	s21 =	smov.u32 s10  }
0x4f: {  	v62 =	vld [tilespmem:s17+$0x20];
	[tilespmem:s19+$0xE70 ss:$0x21] =	vst.msk $0xffff, v0;
	s31 =	smulhi.u32 $0x218DDDB, s20;
	s22 =	sand.u32 s25, s10;
	s21 =	simm.s32 @!p1 $0x60  }
0x50: {  	v63 =	vld [tilespmem:s17+$0xFFFFFFC0];
	[tilespmem:s19+$0x210 ss:$0x21] =	vst.msk $0xffff, v5;
	s26 =	sadd.s32 $0xFFF0BE38, s24;
	s17 =	ssub.s32 $0xF4248, s24;
	s21 =	ssub.s32 s21, s22  }
0x51: {  	[tilespmem:s19+$0x420 ss:$0x21] =	vst.msk $0xffff, v58;
	s23 =	sshrl.u32 s31, $0xD;
	p1 =	sgt.s32 s26, $0x7F;
	s27 =	sadd.s32 $0xFFFFFFA0, s21  }
0x52: {  	[tilespmem:s19+$0x630 ss:$0x21] =	vst.msk $0xffff, v59;
	s23 =	smul.u32 $0xF4248, s23;
	s18 =	ssub.s32 $0x80, s21;
	p2 =	sgt.s32 s27, $0x1F  }
.Ltmp4:
0x53: {  	[tilespmem:s19+$0x840 ss:$0x21] =	vst.msk $0xffff, v60;
	s17 =	simm.s32 @p1 $0x0;
	s18 =	simm.s32 @p2 $0x0;
	(pc) =	sbr.rel .LBB1_5-.Ltmp4, $4  }
0x54: {  	s29 =	sand.u32 $0xF, s28;
	[tilespmem:s19+$0xA50 ss:$0x21] =	vst.msk $0xffff, v61;
	s20 =	ssub.s32 s20, s23;
	s17 =	smul.u32 s18, s17  }
0x55: {  	[tilespmem:s19+$0xC60 ss:$0x21] =	vst.msk $0xffff, v62;
	s21 =	sshll.u32 s30, $0x12;
	s20 =	sshll.u32 s20, $0x4;
	s18 =	sadd.s32 s5, s29  }
0x56: {  	[tilespmem:s19+$0x0 ss:$0x21] =	vst.msk $0xffff, v63;
	s31 =	sor.u32 $0x20, s21;
	s18 =	sadd.s32 s20, s18;
	s17 =	sand.u32 $0x3FFFFFFF, s17  }
0x57: {  	[hbm4b:s18+s31] =	stream.strided.scatter [tilespmem:s16], [sflag:$0x2], s17, s8, s31, $0x10;
	[tilespmem:$0x4100] =	vst v63  }
.LBB1_6:
0x58: {  	_ =	sfence.sel $0x180000  }
0x59: {  	s2 =	simm.s32 $0x1;
	[bflag:$0x0] =	sbarrier.arrive $0xFFFF  }
0x5a: {  	s31 =	simm.s32 $0x2;
	[sflag:s2] =	ssyncpa.u1 $0x1  }
0x5b: {  	[sflag:s31] =	ssyncpa.u1 $0x1  }
0x5c: {  	p0 =	sne.s32 s1, $0x0;
	_ =	strace $0x9000004A  }
0x5d: {  	s0 =	sadd.s32 @!p0 $0x100000, s0;
	[bflag:$0x2] =	sbarrier.arrive $0xFFFF  }
0x5e: {  	[sflag:s0] =	ssyncadd.tile.s32 @!p0 $0x1;
	_ =	shalt  }
.Lfunc_end1:
_tile_overlayer_lowered:
.L_overlay_start_2:
0x5f: {  	(tag) =	ssettag $0x2  }
0x60: {  	s0 =	rddreg [dreg:$0x0];
	s2 =	stileid.u32  }
0x61: {  	s1 =	rddreg [dreg:$0x1];
	p0 =	sne.s32 s2, $0x0  }
0x62: {  	s3 =	rddreg [dreg:$0x2];
	[bflag:$0x3] =	sbarrier.arrive $0xFFFF;
	s2 =	simm.s32 @!p0 $0x1C01  }
0x63: {  	[timem:s3], [sflag:s2] =	dma.local @!p0 [hbm:s0], s1  }
0x64: {  	s0 =	simm.s32 @!p0 $0x1  }
0x65: {  	_ =	swait.ge @!p0 [sflag:s0], s1  }
0x66: {  	s1 =	ssub.s32 @!p0 $0x0, s1;
	[sflag:s0] =	ssyncset.done @!p0 $0x0  }
0x67: {  	[sflag:s0] =	ssyncadd.s32 @!p0 s1  }
0x68: {  	[bflag:$0x3] =	sbarrier.arrive $0xFFFF  }
0x69: {  	_ =	shalt  }

// kernel: sparse-core-data-format-call.cloned.1.call-start
scs
called_computation_lowered:
.L_overlay_start_0:
0x0: {  	s1 =	sld [smem:$0x3FD9]  }
0x1: {  	s2 =	sld [smem:$0x3FFE];
	_ =	sdelay $0x1  }
0x2: {  	s3 =	srdreg.scid  }
0x3: {  	s0 =	sand.u32 $0x1, s3  }
0x4: {  	s17 =	sshll.u32 s0, $0xA;
	s1 =	sadd.s32 s2, s1  }
0x5: {  	s1 =	sadd.s32 s1, s17  }
0x6: {  	[smem:$0x3FC2] =	sst s1  }
0x7: {  	_ = 	snop  }
0x8: {  	(tm) =	ssettm $0x1  }
0x9: {  	s18 =	sld [smem:$0x3FFB];
	_ =	sdelay $0x3  }
0xa: {  	_ =	strace s18  }
0xb: {  	s1 =	sld [smem:$0x3FFC];
	_ =	sdelay $0x3  }
0xc: {  	_ =	strace s1  }
0xd: {  	s1 =	sld [smem:$0x3FFD];
	_ =	sdelay $0x3  }
0xe: {  	_ =	strace s1  }
0xf: {  	_ =	strace $0x8FFFFFFF  }
0x10: {  	s19 =	sld [smem:$0x3FDB];
	_ =	sdelay $0x1  }
0x11: {  	s20 =	simm.s32 $_scs_section_size  }
0x12: {  	s4 =	simm.s32 $_size__tile_overlayer_lowered;
	s5 =	simm.s32 $_tile_overlayer_lowered  }
0x13: {  	s23 =	simm.s32 $0x1BFF;
	s22 =	sshll.u32 s5, $0x1;
	s1 =	sadd.s32 s20, s19  }
0x14: {  	s6 =	simm.s32 $0x0;
	s21 =	sshll.u32 s4, $0x1;
	s4 =	sadd.s32 s22, s1  }
0x15: {  	[timem:s6], [sflag:s23] =	dma.local [hbm:s4], s21  }
0x16: {  	_ =	swait.ge [sflag:s23], s21  }
0x17: {  	s2 =	ssub.s32 $0x0, s21;
	[sflag:s23] =	ssyncset.done $0x0  }
0x18: {  	[sflag:s23] =	ssyncadd.s32 s2;
	_ =	sdelay $0x1  }
0x19: {  	s24 =	simm.s32 $0x1B8B  }
0x1a: {  	_ =	swait.ge [sflag:s24], $0x1  }
0x1b: {  	[sflag:s24] =	ssyncset.done $0x0  }
0x1c: {  	s26 =	simm.s32 $0x1B8E;
	s25 =	sld [smem:$0x3FFE];
	[sflag:s24] =	ssyncadd.s32 $0xFFFFFFFF  }
0x1d: {  	s27 =	simm.s32 $execute0_lowered;
	[smem:$0x3FD2] =	sst s26  }
0x1e: {  	s4 =	sshll.u32 s27, $0x1;
	_ =	strace $0x80000046;
	[dreg:$0x1] =	wrdreg $0xFFFFFFFF  }
0x1f: {  	s28 =	simm.s32 $_size_execute0_lowered;
	s1 =	sadd.s32 s1, s4;
	[dreg:$0x0] =	wrdreg $0x0  }
0x20: {  	s4 =	sshll.u32 s28, $0x1;
	[dreg:$0x2] =	wrdreg s1  }
0x21: {  	[dreg:$0x3] =	wrdreg s4  }
0x22: {  	[dreg:$0x4] =	wrdreg $0xC0  }
0x23: {  	_ =	task [dreg:s6], $0x5FFFF  }
0x24: {  	[dreg:$0x1] =	wrdreg $0xFFFFFFFF  }
0x25: {  	[dreg:$0x0] =	wrdreg $0x60  }
0x26: {  	[dreg:$0x2] =	wrdreg s25  }
0x27: {  	[dreg:$0x3] =	wrdreg $0x9  }
0x28: {  	_ =	task.clear_ibuf [dreg:s6], $0x4FFFF;
	_ =	strace $0x90000046  }
0x29: {  	s29 =	simm.s32 $0x9;
	_ =	strace $0x80000048  }
0x2a: {  	_ =	swait.ge [sflag:s29], $0x1  }
0x2b: {  	[sflag:s29] =	ssyncadd.s32 $0xFFFFFFFF  }
0x2c: {  	_ =	strace $0x90000048  }
0x2d: {  	_ =	sfence  }
0x2e: {  	s30 =	sld [smem:$0x0];
	_ =	sdelay $0x2  }
0x2f: {  	s31 =	sshll.u32 s3, $0xD;
	s3 =	sshrl.u32 s3, $0x2  }
0x30: {  	s2 =	sand.u32 $0x4000, s31;
	s1 =	sadd.s32 s3, s30  }
0x31: {  	s0 =	sor.u32 s2, s0;
	s1 =	sshll.u32 s1, $0x11  }
0x32: {  	s0 =	sor.u32 s1, s0  }
0x33: {  	s0 =	sadd.s32 $0x8F2B, s0  }
0x34: {  	[sflag:s0] =	ssyncadd.remote.s32 $0x1  }
0x35: {  	_ =	sfence.sel $0xFFFF  }
0x36: {  	[dreg:$0x0] =	wrdreg $0xFFFFFFFF;
	(pc) =	sbr.abs _section_cstart, $3  }
0x37: {  	[dreg:$0x1] =	wrdreg $0xFFFFFFFF  }
0x38: {  	_ =	task.clear_ibuf [dreg:s6], $0x2FFFF;
	_ =	strace $0x9FFFFFFF  }
0x39: {  	(tm) =	ssettm $0x7FFFFFFF  }
tec
execute0_lowered:
.L_overlay_start_1:
0x0: {  	(tag) =	ssettag $0x1  }
0x1: {  	s0 =	srdreg.scid  }
0x2: {  	s5 =	rddreg [dreg:$0x0];
	s1 =	stileid.u32;
	s4 =	simm.s32 $0x1  }
0x3: {  	s6 =	simm.s32 $0x2;
	s15 =	simm.s32 $0x0;
	p0 =	por $0x0, $0x0  }
0x4: {  	s8 =	simm.s32 $0x80;
	s14 =	simm.s32 $0x0;
	s2 =	sshll.u32 s0, $0x4  }
0x5: {  	s9 =	simm.s32 $0x0;
	s10 =	simm.s32 $0x0;
	s2 =	sand.u32 $0x10, s2  }
.Ltmp0:
0x6: {  	s12 =	simm.s32 $0x0;
	s3 =	sor.u32 s1, s2;
	(pc) =	sbr.rel .LBB1_1-.Ltmp0, $4  }
0x7: {  	s0 =	rddreg [dreg:$0x1];
	_ =	strace $0x80000047;
	s3 =	sshll.u32 s3, $0x7  }
0x8: {  	s13 =	simm.s32 $0x0;
	[sflag:s4] =	ssyncpa.u1 $0x0;
	s7 =	ssub.s32 $0xF4200, s3  }
0x9: {  	s2 =	sadd.s32 $0x600, s5;
	[sflag:s6] =	ssyncpa.u1 $0x0;
	s6 =	sshrl.u32 s7, $0xC  }
0xa: {  	s5 =	sadd.s32 $0x3D1000, s5;
	s11 =	smov.u32 s3;
	s7 =	sadd.s32 $0x2, s6  }
.LBB1_5:
0xb: {  	p1 =	slt.u32 s13, $0x2  }
0xc: {  	s17 =	smov.u32 s15;
	p2 =	sgt.s32 @!p1 s15, $0xF41C8;
	s16 =	sshra.s32 @!p1 s15, $0x1F  }
0xd: {  	p3 =	sgt.s32 @!p1 s14, $0x60;
	s18 =	sshra.s32 @!p1 s14, $0x1F;
	p2 =	por !p2, p1  }
0xe: {  	s15 =	sand.u32 @!p1 s16, s15;
	p3 =	por !p3, p1;
	s16 =	smov.u32 s14  }
0xf: {  	s14 =	sand.u32 @!p1 s18, s14;
	s17 =	simm.s32 @p2 $0xF41C8;
	s16 =	simm.s32 @p3 $0x60  }
0x10: {  	s15 =	ssub.s32 @!p1 s17, s15;
	s14 =	ssub.s32 @!p1 s16, s14  }
0x11: {  	s18 =	smov.u32 s12;
	s16 =	sadd.s32 @!p1 $0xFFF0BE38, s15;
	s17 =	sadd.s32 @!p1 $0xFFFFFFA0, s14  }
0x12: {  	s15 =	ssub.s32 @!p1 $0xF4248, s15;
	p2 =	sgt.s32 @!p1 s16, $0x7F;
	p3 =	sgt.s32 @!p1 s17, $0x1F  }
0x13: {  	s14 =	ssub.s32 @!p1 $0x80, s14;
	p2 =	por !p2, p1;
	p3 =	por !p3, p1  }
0x14: {  	s16 =	sadd.s32 $0x1000, s11;
	s15 =	simm.s32 @!p2 $0x0;
	s14 =	simm.s32 @!p3 $0x0  }
0x15: {  	p2 =	sgt.s32 s16, $0xF4240;
	s14 =	smul.u32 @!p1 s14, s15;
	s15 =	sadd.s32 $0x20, s12  }
0x16: {  	s18 =	smov.u32 @p2 s15  }
0x17: {  	s16 =	smov.u32 @p2 s3;
	p2 =	sgt.s32 s18, $0x1F  }
0x18: {  	s18 =	simm.s32 @p2 $0x0;
	p2 =	sne.s32 s13, s7  }
.Ltmp1:
0x19: {  	p0 =	por !p0, !p0;
	s17 =	simm.s32 @!p1 $0x2;
	(pc) =	sbr.rel @!p2 .LBB1_6-.Ltmp1, $4  }
0x1a: {  	s15 =	smov.u32 s9;
	s9 =	smov.u32 s11;
	s14 =	sand.u32 @!p1 $0x3FFFFFFF, s14  }
0x1b: {  	s11 =	smov.u32 s16;
	_ =	swait.ge @!p1 [sflag:s17], s14;
	s19 =	ssub.s32 @!p1 $0x0, s14  }
0x1c: {  	s14 =	smov.u32 s10;
	s13 =	sadd.s32 $0x1, s13;
	[sflag:s17] =	ssyncset.done @!p1 $0x0  }
0x1d: {  	s10 =	smov.u32 s12;
	s12 =	smov.u32 s18;
	[sflag:s17] =	ssyncadd.s32 @!p1 s19  }
.LBB1_1:
0x1e: {  	p1 =	sgt.u32 s13, s6  }
0x1f: {  	s16 =	sshrl.u32 @!p1 s12, $0x3  }
0x20: {  	s17 =	sshll.u32 @!p1 s11, $0x3;
	s16 =	smul.u32 @!p1 $0x7A1400, s16  }
0x21: {  	s18 =	sshll.u32 @!p1 s12, $0x7;
	s17 =	sand.u32 @!p1 $0xFFFFFC00, s17  }
0x22: {  	s16 =	sadd.s32 @!p1 s16, s17;
	s17 =	sand.u32 @!p1 $0x380, s18  }
0x23: {  	s18 =	sand.u32 @!p1 $0x7F, s11;
	s16 =	sor.u32 @!p1 s17, s16  }
0x24: {  	s17 =	sor.u32 @!p1 s18, s16  }
0x25: {  	s18 =	smulhi.u32 @!p1 $0x218D6287, s17;
	_ =	sdelay $0x1  }
0x26: {  	s16 =	smulhi.u32 @!p1 $0x218D6287, s16;
	s18 =	sshrl.u32 @!p1 s18, $0x11  }
0x27: {  	s18 =	smul.u32 @!p1 $0xF4280, s18  }
0x28: {  	s19 =	sxor.u32 @!p1 $0xFFFFFFFF, s13;
	s16 =	sshrl.u32 @!p1 s16, $0x11  }
0x29: {  	s19 =	sshll.u32 @!p1 s19, $0xC;
	s16 =	sand.u32 @!p1 $0x1F, s16;
	s17 =	ssub.s32 @!p1 s17, s18  }
0x2a: {  	s16 =	smul.u32 @!p1 $0x1E850, s16;
	s18 =	sshrl.u32 @!p1 s17, $0x3;
	s17 =	sand.u32 @!p1 $0x7, s17  }
0x2b: {  	s19 =	sand.u32 @!p1 $0x1000, s19;
	s18 =	sadd.s32 @!p1 s2, s18;
	s17 =	sshll.u32 @!p1 s17, $0x12  }
0x2c: {  	s16 =	sadd.s32 @!p1 s16, s18;
	s17 =	sor.u32 @!p1 $0x400, s17;
	s18 =	simm.s32 @!p1 $0x7A1400  }
0x2d: {  	[tilespmem:s19], [sflag:$0x1] =	stream.strided.gather @!p1 [hbm4b:s16+s17], $0x1000, s18, s17, $0x38;
	[tilespmem:$0x4100] =	vst v63  }
0x2e: {  	p1 =	seq.s32 s13, $0x0  }
0x2f: {  	p2 =	sge.u32 @!p1 s13, s7  }
0x30: {  	p1 =	por p1, p2  }
.Ltmp2:
0x31: {  	_ = 	snop;
	(pc) =	sbr.rel @p1 .LBB1_5-.Ltmp2, $1  }
0x32: {  	_ =	sdelay $0x3  }
0x33: {  	s16 =	simm.s32 $0x1  }
0x34: {  	_ =	swait.ge [sflag:s4], $0x1000;
	s16 =	simm.s32 @!p0 $0x0  }
0x35: {  	[sflag:s4] =	ssyncset.done $0x0;
	s17 =	sshll.u32 s16, $0xC  }
0x36: {  	[sflag:s4] =	ssyncadd.s32 $0xFFFFF000;
	s17 =	sor.u32 $0x40, s17  }
0x37: {  	s16 =	smul.u32 $0x4200, s16;
	v0 =	vld [tilespmem:s17+$0x30]  }
0x38: {  	v1 =	vld [tilespmem:s17+$0xFFFFFFD0]  }
0x39: {  	s16 =	sshrl.u32 s16, $0x2;
	v5 =	vld [tilespmem:s17+$0xFFFFFFE0]  }
0x3a: {  	v6 =	vld [tilespmem:s17+$0xFFFFFFF0];
	s19 =	sor.u32 $0x2000, s16  }
0x3b: {  	s31 =	sand.u32 $0x1, s13;
	v4 =	vld [tilespmem:s17+$0x0];
	s18 =	sadd.s32 $0x0, s19  }
0x3c: {  	v3 =	vld [tilespmem:s17+$0x10];
	s16 =	smul.u32 $0x4200, s31;
	[tilespmem:s18+$0xE70 ss:$0x21] =	vst.msk $0xffff, v0  }
0x3d: {  	v2 =	vld [tilespmem:s17+$0x20];
	[tilespmem:s18+$0x210 ss:$0x21] =	vst.msk $0xffff, v1  }
0x3e: {  	s16 =	sshrl.u32 s16, $0x2;
	v1 =	vld [tilespmem:s17+$0xFFFFFFC0];
	[tilespmem:s18+$0x420 ss:$0x21] =	vst.msk $0xffff, v5;
	s17 =	sadd.s32 $0x80, s17  }
0x3f: {  	s20 =	simm.s32 $0x4;
	s21 =	simm.s32 $0x8;
	s16 =	sor.u32 $0x2000, s16;
	[tilespmem:s18+$0x630 ss:$0x21] =	vst.msk $0xffff, v6;
	v0 =	vld [tilespmem:s17+$0x30]  }
.LBB1_3:
0x40: {  	p1 =	sne.s32 s21, $0x7C;
	v5 =	vld [tilespmem:s17+$0xFFFFFFD0];
	[tilespmem:s18+$0x840 ss:$0x21] =	vst.msk $0xffff, v4  }
0x41: {  	v6 =	vld [tilespmem:s17+$0xFFFFFFE0];
	[tilespmem:s18+$0xA50 ss:$0x21] =	vst.msk $0xffff, v3  }
0x42: {  	s22 =	sshra.s32 s20, $0x2;
	s20 =	smov.u32 s21;
	v7 =	vld [tilespmem:s17+$0xFFFFFFF0];
	[tilespmem:s18+$0xC60 ss:$0x21] =	vst.msk $0xffff, v2  }
.Ltmp3:
0x43: {  	v4 =	vld [tilespmem:s17+$0x0];
	[tilespmem:s18+$0x0 ss:$0x21] =	vst.msk $0xffff, v1;
	s18 =	sadd.s32 s22, s19;
	(pc) =	sbr.rel @p1 .LBB1_3-.Ltmp3, $4  }
0x44: {  	v3 =	vld [tilespmem:s17+$0x10];
	[tilespmem:s18+$0xE70 ss:$0x21] =	vst.msk $0xffff, v0  }
0x45: {  	[tilespmem:s18+$0x210 ss:$0x21] =	vst.msk $0xffff, v5;
	v2 =	vld [tilespmem:s17+$0x20]  }
0x46: {  	v1 =	vld [tilespmem:s17+$0xFFFFFFC0];
	[tilespmem:s18+$0x420 ss:$0x21] =	vst.msk $0xffff, v6;
	s17 =	sadd.s32 $0x80, s17  }
0x47: {  	s21 =	sadd.s32 $0x4, s21;
	v0 =	vld [tilespmem:s17+$0x30];
	[tilespmem:s18+$0x630 ss:$0x21] =	vst.msk $0xffff, v7  }
0x48: {  	s21 =	sshll.u32 s9, $0x7;
	s22 =	sshll.u32 s10, $0x3;
	s20 =	sshra.s32 s20, $0x2  }
0x49: {  	p1 =	sgt.s32 s9, $0xF41C8;
	s30 =	sshra.s32 s9, $0x1F;
	s25 =	sshra.s32 s10, $0x1F  }
0x4a: {  	v5 =	vld [tilespmem:s17+$0xFFFFFFD0];
	s28 =	sshrl.u32 s10, $0x3;
	s23 =	sand.u32 $0xFFFFFC00, s21;
	s22 =	sand.u32 $0xFFFFFC00, s22  }
0x4b: {  	[tilespmem:s18+$0x840 ss:$0x21] =	vst.msk $0xffff, v4;
	v58 =	vld [tilespmem:s17+$0xFFFFFFE0];
	s21 =	sand.u32 $0x380, s21;
	s19 =	sadd.s32 s20, s19;
	s22 =	sadd.s32 s22, s23  }
0x4c: {  	v59 =	vld [tilespmem:s17+$0xFFFFFFF0];
	[tilespmem:s18+$0xA50 ss:$0x21] =	vst.msk $0xffff, v3;
	s29 =	sor.u32 s21, s22;
	s21 =	smov.u32 s9;
	s22 =	sand.u32 s30, s9  }
0x4d: {  	v60 =	vld [tilespmem:s17+$0x0];
	[tilespmem:s18+$0xC60 ss:$0x21] =	vst.msk $0xffff, v2;
	s30 =	sand.u32 $0x7, s10;
	s20 =	sshrl.u32 s29, $0x7;
	s21 =	simm.s32 @!p1 $0xF41C8  }
0x4e: {  	v61 =	vld [tilespmem:s17+$0x10];
	[tilespmem:s18+$0x0 ss:$0x21] =	vst.msk $0xffff, v1;
	p1 =	sgt.s32 s10, $0x60;
	s24 =	ssub.s32 s21, s22;
	s21 =	smov.u32 s10  }
0x4f: {  	v62 =	vld [tilespmem:s17+$0x20];
	[tilespmem:s19+$0xE70 ss:$0x21] =	vst.msk $0xffff, v0;
	s31 =	smulhi.u32 $0x218DDDB, s20;
	s22 =	sand.u32 s25, s10;
	s21 =	simm.s32 @!p1 $0x60  }
0x50: {  	v63 =	vld [tilespmem:s17+$0xFFFFFFC0];
	[tilespmem:s19+$0x210 ss:$0x21] =	vst.msk $0xffff, v5;
	s26 =	sadd.s32 $0xFFF0BE38, s24;
	s17 =	ssub.s32 $0xF4248, s24;
	s21 =	ssub.s32 s21, s22  }
0x51: {  	[tilespmem:s19+$0x420 ss:$0x21] =	vst.msk $0xffff, v58;
	s23 =	sshrl.u32 s31, $0xD;
	p1 =	sgt.s32 s26, $0x7F;
	s27 =	sadd.s32 $0xFFFFFFA0, s21  }
0x52: {  	[tilespmem:s19+$0x630 ss:$0x21] =	vst.msk $0xffff, v59;
	s23 =	smul.u32 $0xF4248, s23;
	s18 =	ssub.s32 $0x80, s21;
	p2 =	sgt.s32 s27, $0x1F  }
.Ltmp4:
0x53: {  	[tilespmem:s19+$0x840 ss:$0x21] =	vst.msk $0xffff, v60;
	s17 =	simm.s32 @p1 $0x0;
	s18 =	simm.s32 @p2 $0x0;
	(pc) =	sbr.rel .LBB1_5-.Ltmp4, $4  }
0x54: {  	s29 =	sand.u32 $0xF, s28;
	[tilespmem:s19+$0xA50 ss:$0x21] =	vst.msk $0xffff, v61;
	s20 =	ssub.s32 s20, s23;
	s17 =	smul.u32 s18, s17  }
0x55: {  	[tilespmem:s19+$0xC60 ss:$0x21] =	vst.msk $0xffff, v62;
	s21 =	sshll.u32 s30, $0x12;
	s20 =	sshll.u32 s20, $0x4;
	s18 =	sadd.s32 s5, s29  }
0x56: {  	[tilespmem:s19+$0x0 ss:$0x21] =	vst.msk $0xffff, v63;
	s31 =	sor.u32 $0x20, s21;
	s18 =	sadd.s32 s20, s18;
	s17 =	sand.u32 $0x3FFFFFFF, s17  }
0x57: {  	[hbm4b:s18+s31] =	stream.strided.scatter [tilespmem:s16], [sflag:$0x2], s17, s8, s31, $0x10;
	[tilespmem:$0x4100] =	vst v63  }
.LBB1_6:
0x58: {  	_ =	sfence.sel $0x180000  }
0x59: {  	s2 =	simm.s32 $0x1;
	[bflag:$0x0] =	sbarrier.arrive $0xFFFF  }
0x5a: {  	s31 =	simm.s32 $0x2;
	[sflag:s2] =	ssyncpa.u1 $0x1  }
0x5b: {  	[sflag:s31] =	ssyncpa.u1 $0x1  }
0x5c: {  	p0 =	sne.s32 s1, $0x0;
	_ =	strace $0x90000047  }
0x5d: {  	s0 =	sadd.s32 @!p0 $0x100000, s0;
	[bflag:$0x2] =	sbarrier.arrive $0xFFFF  }
0x5e: {  	[sflag:s0] =	ssyncadd.tile.s32 @!p0 $0x1;
	_ =	shalt  }
.Lfunc_end1:
_tile_overlayer_lowered:
.L_overlay_start_2:
0x5f: {  	(tag) =	ssettag $0x2  }
0x60: {  	s0 =	rddreg [dreg:$0x0];
	s2 =	stileid.u32  }
0x61: {  	s1 =	rddreg [dreg:$0x1];
	p0 =	sne.s32 s2, $0x0  }
0x62: {  	s3 =	rddreg [dreg:$0x2];
	[bflag:$0x3] =	sbarrier.arrive $0xFFFF;
	s2 =	simm.s32 @!p0 $0x1C01  }
0x63: {  	[timem:s3], [sflag:s2] =	dma.local @!p0 [hbm:s0], s1  }
0x64: {  	s0 =	simm.s32 @!p0 $0x1  }
0x65: {  	_ =	swait.ge @!p0 [sflag:s0], s1  }
0x66: {  	s1 =	ssub.s32 @!p0 $0x0, s1;
	[sflag:s0] =	ssyncset.done @!p0 $0x0  }
0x67: {  	[sflag:s0] =	ssyncadd.s32 @!p0 s1  }
0x68: {  	[bflag:$0x3] =	sbarrier.arrive $0xFFFF  }
0x69: {  	_ =	shalt  }

</sc_bundles>
